<compile_context>
chip_gen: v7x
topology: tpu7x:2x2x1
jax: 0.10.2.dev20260603
libtpu: 0.0.44.dev20260713+nightly
codegen_flags: <defaults>
</compile_context>

<pallas_src>
import functools

import jax
import jax.numpy as jnp
from jax import lax
from jax.experimental import pallas as pl
from jax.experimental.pallas import tpu as pltpu, tpu_sc as plsc

N = 4_194_304
M = 1_000_000
_MP = 1_048_576

_info = plsc.get_sparse_core_info()
_NC, _NS = _info.num_cores, _info.num_subcores
_NW = _NC * _NS
_PER_W = N // _NW
_CHUNK = 8_192
_NCHUNKS = _PER_W // _CHUNK
_SEG = _MP // _NS



def _table_body(v_ref, h_ref, t2_ref):
    t2_ref[pl.ds(0, M)] = jnp.sqrt(v_ref[0] / (h_ref[...] + 1.0))


def _tc_table(hist, v):
    return pl.pallas_call(
        _table_body,
        in_specs=[
            pl.BlockSpec(memory_space=pltpu.SMEM),
            pl.BlockSpec(memory_space=pltpu.VMEM),
        ],
        out_specs=pl.BlockSpec(memory_space=pltpu.VMEM),
        out_shape=jax.ShapeDtypeStruct((_MP,), jnp.float32),
    )(v, hist)



_mesh = plsc.VectorSubcoreMesh(core_axis_name="c", subcore_axis_name="s")


@functools.partial(
    pl.kernel,
    out_type=jax.ShapeDtypeStruct((N,), jnp.float32),
    mesh=_mesh,
    scratch_types=[
        pltpu.VMEM((_CHUNK,), jnp.float32),
        pltpu.VMEM((_CHUNK,), jnp.float32),
        pltpu.VMEM((_CHUNK,), jnp.int32),
        pltpu.VMEM((_CHUNK,), jnp.int32),
        pltpu.VMEM((_CHUNK,), jnp.float32),
        pltpu.VMEM((_CHUNK,), jnp.float32),
        pltpu.VMEM_SHARED((_MP,), jnp.float32),
        pltpu.SemaphoreType.DMA,
        pltpu.SemaphoreType.DMA,
        pltpu.SemaphoreType.DMA,
        pltpu.SemaphoreType.DMA,
        pltpu.SemaphoreType.DMA,
        pltpu.SemaphoreType.DMA,
        pltpu.SemaphoreType.DMA,
    ],
)
def _sc_gather(t2_hbm, ob_hbm, out_hbm, ob0, ob1, idx0, idx1, val0, val1,
               table_sh, obs0, obs1, gs0, gs1, wbs0, wbs1, ssem):
    cid = lax.axis_index("c")
    sid = lax.axis_index("s")
    wid = sid * _NC + cid
    ob_v = (ob0, ob1)
    idx_v = (idx0, idx1)
    val_v = (val0, val1)
    obsems = (obs0, obs1)
    gsems = (gs0, gs1)
    wbsems = (wbs0, wbs1)

    base = wid * _PER_W

    def start_ob(i):
        b = i & 1
        return pltpu.async_copy(
            ob_hbm.at[pl.ds(base + i * _CHUNK, _CHUNK)], ob_v[b], obsems[b]
        )

    def convert(i):
        b = i & 1

        @plsc.parallel_loop(0, _CHUNK, step=16, unroll=8)
        def _(j):
            s = pl.ds(j, 16)
            idx_v[b][s] = ob_v[b][s].astype(jnp.int32)

    def start_gather(i):
        b = i & 1
        return pltpu.async_copy(table_sh.at[idx_v[b]], val_v[b], gsems[b])

    def start_wb(i):
        b = i & 1
        return pltpu.async_copy(
            val_v[b], out_hbm.at[pl.ds(base + i * _CHUNK, _CHUNK)], wbsems[b]
        )

    ob_d = {0: start_ob(0)}
    stage_d = pltpu.async_copy(
        t2_hbm.at[pl.ds(sid * _SEG, _SEG)],
        table_sh.at[pl.ds(sid * _SEG, _SEG)],
        ssem,
    )
    ob_d[1] = start_ob(1)
    ob_d[0].wait()
    convert(0)
    stage_d.wait()
    plsc.subcore_barrier()

    g_d = {0: start_gather(0)}
    wb_d = {}
    for i in range(_NCHUNKS):
        if i + 1 < _NCHUNKS:
            ob_d[i + 1].wait()
            convert(i + 1)
            if i >= 1:
                wb_d[i - 1].wait()
            g_d[i + 1] = start_gather(i + 1)
            if i + 2 < _NCHUNKS:
                ob_d[i + 2] = start_ob(i + 2)
        g_d[i].wait()
        wb_d[i] = start_wb(i)
    wb_d[_NCHUNKS - 2].wait()
    wb_d[_NCHUNKS - 1].wait()




def kernel(ob_no, histogram, n):
    n_new = jnp.asarray(n + ob_no.shape[0], jnp.float32)
    v = (2.0 * jnp.log(n_new)).reshape((1,))
    t2 = _tc_table(histogram, v)
    return _sc_gather(t2, ob_no)

# --- scband reference (transcript-rebuilt; emitter-appended) ---
"""Pipeline reference for scband-pseudo-count-model-84310208021282 (READ-ONLY COPY).

The authoritative reference and input builder live on the scoring server;
editing this copy changes nothing except your own understanding.
"""

import jax, jax.numpy as jnp
import numpy as np

N = 4_194_304
M = 1_000_000

def setup_inputs(seed: int = 0) -> dict:
    key = jax.random.key(seed)
    k1, k2 = jax.random.split(key)
    # observations uniformly spread over the discretized state space [0, M)
    ob_no = jax.random.uniform(k1, (N,), dtype=jnp.float32, minval=0.0, maxval=float(M) - 1.0)
    # visit-count histogram (state of the module); float so it is differentiable downstream
    histogram = jax.random.randint(k2, (M,), 0, 1000).astype(jnp.float32)
    n = 1_000_000  # running total visit count (python int, constant)
    return {"ob_no": ob_no, "histogram": histogram, "n": n}

def reference(ob_no, histogram, n):
    # discretize_obs: floor -> int bin index
    idx = jnp.floor(ob_no).astype(jnp.int32)
    # obs_count = histogram[discretize_obs(ob_no)] + 1
    obs_count = jnp.take(histogram, idx, axis=0) + 1.0
    # self.n += len(obs_count); bonus = sqrt(2 * log(tile(n, N)) / obs_count)
    n_new = n + ob_no.shape[0]
    log_n = jnp.log(jnp.broadcast_to(jnp.asarray(n_new, dtype=jnp.float32), (ob_no.shape[0],)))
    return jnp.sqrt(2.0 * log_n / obs_count)

if __name__ == "__main__":
    import jax
    _d = setup_inputs()
    print(jax.jit(kernel)(*tuple(_d.values())))

</pallas_src>

<mosaic_0001>
#map = affine_map<(d0, d1) -> (0)>
module attributes {stable_mosaic.version = 14 : i64} {
  func.func @_sc_gather(%arg0: i32, %arg1: i32, %arg2: memref<1048576xf32, #tpu.memory_space<hbm>>, %arg3: memref<4194304xf32, #tpu.memory_space<hbm>>, %arg4: memref<4194304xf32, #tpu.memory_space<hbm>>, %arg5: memref<8192xf32, #tpu.memory_space<vmem>>, %arg6: memref<8192xf32, #tpu.memory_space<vmem>>, %arg7: memref<8192xi32, #tpu.memory_space<vmem>>, %arg8: memref<8192xi32, #tpu.memory_space<vmem>>, %arg9: memref<8192xf32, #tpu.memory_space<vmem>>, %arg10: memref<8192xf32, #tpu.memory_space<vmem>>, %arg11: memref<1048576xf32, #tpu.memory_space<vmem_shared>>, %arg12: memref<!tpu.dma_semaphore, #tpu.memory_space<semaphore_mem>>, %arg13: memref<!tpu.dma_semaphore, #tpu.memory_space<semaphore_mem>>, %arg14: memref<!tpu.dma_semaphore, #tpu.memory_space<semaphore_mem>>, %arg15: memref<!tpu.dma_semaphore, #tpu.memory_space<semaphore_mem>>, %arg16: memref<!tpu.dma_semaphore, #tpu.memory_space<semaphore_mem>>, %arg17: memref<!tpu.dma_semaphore, #tpu.memory_space<semaphore_mem>>, %arg18: memref<!tpu.dma_semaphore, #tpu.memory_space<semaphore_mem>>) attributes {dimension_semantics = [#tpu.dimension_semantics<core_parallel>, #tpu.dimension_semantics<subcore_parallel>], iteration_bounds = array<i64: 2, 16>, scalar_prefetch = 0 : i64, scratch_operands = 14 : i64, tpu.core_type = #tpu.core_type<sc_vector_subcore>, window_params = [{transform_indices = #map}, {transform_indices = #map}, {transform_indices = #map}]} {
    %mul3A = arith.constant 2 : i32
    %mul3A_0 = arith.muli %arg1, %mul3A : i32
    %add3A = arith.addi %mul3A_0, %arg0 : i32
    %mul3A_1 = arith.constant 131072 : i32
    %mul3A_2 = arith.muli %add3A, %mul3A_1 : i32
    %add3A_3 = arith.constant 0 : i32
    %add3A_4 = arith.addi %mul3A_2, %add3A_3 : i32
    %dma_start3A = tpu.memref_slice %arg3[%add3A_4] : memref<4194304xf32, #tpu.memory_space<hbm>> -> memref<8192xf32, #tpu.memory_space<hbm>>
    %dma_start3A_5 = tpu.memref_slice %arg3[%add3A_4] : memref<4194304xf32, #tpu.memory_space<hbm>> -> memref<8192xf32, #tpu.memory_space<hbm>>
    tpu.enqueue_dma source(%dma_start3A_5 : memref<8192xf32, #tpu.memory_space<hbm>>) target(%arg5 : memref<8192xf32, #tpu.memory_space<vmem>>) target_semaphore(%arg12 : memref<!tpu.dma_semaphore, #tpu.memory_space<semaphore_mem>>)
    %mul3A_6 = arith.constant 65536 : i32
    %mul3A_7 = arith.muli %arg1, %mul3A_6 : i32
    %mul3A_8 = arith.constant 65536 : i32
    %mul3A_9 = arith.muli %arg1, %mul3A_8 : i32
    %dma_start3A_10 = tpu.memref_slice %arg11[%mul3A_9] : memref<1048576xf32, #tpu.memory_space<vmem_shared>> -> memref<65536xf32, #tpu.memory_space<vmem_shared>>
    %dma_start3A_11 = tpu.memref_slice %arg2[%mul3A_7] : memref<1048576xf32, #tpu.memory_space<hbm>> -> memref<65536xf32, #tpu.memory_space<hbm>>
    tpu.enqueue_dma source(%dma_start3A_11 : memref<65536xf32, #tpu.memory_space<hbm>>) target(%dma_start3A_10 : memref<65536xf32, #tpu.memory_space<vmem_shared>>) target_semaphore(%arg18 : memref<!tpu.dma_semaphore, #tpu.memory_space<semaphore_mem>>)
    %add3A_12 = arith.constant 8192 : i32
    %add3A_13 = arith.addi %mul3A_2, %add3A_12 : i32
    %dma_start3A_14 = tpu.memref_slice %arg3[%add3A_13] : memref<4194304xf32, #tpu.memory_space<hbm>> -> memref<8192xf32, #tpu.memory_space<hbm>>
    %dma_start3A_15 = tpu.memref_slice %arg3[%add3A_13] : memref<4194304xf32, #tpu.memory_space<hbm>> -> memref<8192xf32, #tpu.memory_space<hbm>>
    tpu.enqueue_dma source(%dma_start3A_15 : memref<8192xf32, #tpu.memory_space<hbm>>) target(%arg6 : memref<8192xf32, #tpu.memory_space<vmem>>) target_semaphore(%arg13 : memref<!tpu.dma_semaphore, #tpu.memory_space<semaphore_mem>>)
    %dma_wait3A = tpu.memref_slice %arg3[%add3A_4] : memref<4194304xf32, #tpu.memory_space<hbm>> -> memref<8192xf32, #tpu.memory_space<hbm>>
    %dma_wait3A_16 = tpu.memref_slice %arg3[%add3A_4] : memref<4194304xf32, #tpu.memory_space<hbm>> -> memref<8192xf32, #tpu.memory_space<hbm>>
    tpu.wait_dma2 semaphore(%arg12 : memref<!tpu.dma_semaphore, #tpu.memory_space<semaphore_mem>>) src(%dma_wait3A_16 : memref<8192xf32, #tpu.memory_space<hbm>>) dst(%arg5 : memref<8192xf32, #tpu.memory_space<vmem>>)
    %parallel_loop3A = arith.constant 0 : i32
    %parallel_loop3A_17 = arith.constant 8192 : i32
    %parallel_loop3A_18 = arith.constant 16 : i32
    scf.for %parallel_loop3A_312 = %parallel_loop3A to %parallel_loop3A_17 step %parallel_loop3A_18  : i32 {
      %parallel_loop3A_313 = arith.index_cast %parallel_loop3A_312 : i32 to index
      %parallel_loop3A_314 = tpu.vector_load %arg5[%parallel_loop3A_313] {strides = array<i32>} : memref<8192xf32, #tpu.memory_space<vmem>>, vector<16xf32>,
      %parallel_loop3A_315 = vector.shape_cast %parallel_loop3A_314 : vector<16xf32> to vector<16xf32>
      %parallel_loop3A_316 = arith.fptosi %parallel_loop3A_315 : vector<16xf32> to vector<16xi32>
      %parallel_loop3A_317 = arith.index_cast %parallel_loop3A_312 : i32 to index
      %parallel_loop3A_318 = tpu.vector_load %arg7[%parallel_loop3A_317] {strides = array<i32>} : memref<8192xi32, #tpu.memory_space<vmem>>, vector<16xi32>,
      %parallel_loop3A_319 = vector.shape_cast %parallel_loop3A_318 : vector<16xi32> to vector<16xi32>
      %parallel_loop3A_320 = vector.shape_cast %parallel_loop3A_316 : vector<16xi32> to vector<16xi32>
      tpu.vector_store %arg7[%parallel_loop3A_317], %parallel_loop3A_320 {strides = array<i32>} : memref<8192xi32, #tpu.memory_space<vmem>>, vector<16xi32>,
    } {sc.loop_unroll_factor = 8 : i64, sc.parallel_access}
    %dma_wait3A_19 = tpu.memref_slice %arg11[%mul3A_9] : memref<1048576xf32, #tpu.memory_space<vmem_shared>> -> memref<65536xf32, #tpu.memory_space<vmem_shared>>
    %dma_wait3A_20 = tpu.memref_slice %arg2[%mul3A_7] : memref<1048576xf32, #tpu.memory_space<hbm>> -> memref<65536xf32, #tpu.memory_space<hbm>>
    tpu.wait_dma2 semaphore(%arg18 : memref<!tpu.dma_semaphore, #tpu.memory_space<semaphore_mem>>) src(%dma_wait3A_20 : memref<65536xf32, #tpu.memory_space<hbm>>) dst(%dma_wait3A_19 : memref<65536xf32, #tpu.memory_space<vmem_shared>>)
    %barrier3A = arith.constant 0 : index
    tpu.barrier barrier_id(%barrier3A)
    %dma_start3A_21 = arith.constant 0 : i32
    %dma_start3A_22 = tpu.memref_slice %arg11[%dma_start3A_21] : memref<1048576xf32, #tpu.memory_space<vmem_shared>> -> memref<1048576xf32, #tpu.memory_space<vmem_shared>>
    tpu.enqueue_indirect_dma source(%dma_start3A_22 : memref<1048576xf32, #tpu.memory_space<vmem_shared>>) target(%arg9 : memref<8192xf32, #tpu.memory_space<vmem>>) offsets(%arg7 : memref<8192xi32, #tpu.memory_space<vmem>>) semaphore(%arg14 : memref<!tpu.dma_semaphore, #tpu.memory_space<semaphore_mem>>)
    %dma_wait3A_23 = tpu.memref_slice %arg3[%add3A_13] : memref<4194304xf32, #tpu.memory_space<hbm>> -> memref<8192xf32, #tpu.memory_space<hbm>>
    %dma_wait3A_24 = tpu.memref_slice %arg3[%add3A_13] : memref<4194304xf32, #tpu.memory_space<hbm>> -> memref<8192xf32, #tpu.memory_space<hbm>>
    tpu.wait_dma2 semaphore(%arg13 : memref<!tpu.dma_semaphore, #tpu.memory_space<semaphore_mem>>) src(%dma_wait3A_24 : memref<8192xf32, #tpu.memory_space<hbm>>) dst(%arg6 : memref<8192xf32, #tpu.memory_space<vmem>>)
    %parallel_loop3A_25 = arith.constant 0 : i32
    %parallel_loop3A_26 = arith.constant 8192 : i32
    %parallel_loop3A_27 = arith.constant 16 : i32
    scf.for %parallel_loop3A_312 = %parallel_loop3A_25 to %parallel_loop3A_26 step %parallel_loop3A_27  : i32 {
      %parallel_loop3A_313 = arith.index_cast %parallel_loop3A_312 : i32 to index
      %parallel_loop3A_314 = tpu.vector_load %arg6[%parallel_loop3A_313] {strides = array<i32>} : memref<8192xf32, #tpu.memory_space<vmem>>, vector<16xf32>,
      %parallel_loop3A_315 = vector.shape_cast %parallel_loop3A_314 : vector<16xf32> to vector<16xf32>
      %parallel_loop3A_316 = arith.fptosi %parallel_loop3A_315 : vector<16xf32> to vector<16xi32>
      %parallel_loop3A_317 = arith.index_cast %parallel_loop3A_312 : i32 to index
      %parallel_loop3A_318 = tpu.vector_load %arg8[%parallel_loop3A_317] {strides = array<i32>} : memref<8192xi32, #tpu.memory_space<vmem>>, vector<16xi32>,
      %parallel_loop3A_319 = vector.shape_cast %parallel_loop3A_318 : vector<16xi32> to vector<16xi32>
      %parallel_loop3A_320 = vector.shape_cast %parallel_loop3A_316 : vector<16xi32> to vector<16xi32>
      tpu.vector_store %arg8[%parallel_loop3A_317], %parallel_loop3A_320 {strides = array<i32>} : memref<8192xi32, #tpu.memory_space<vmem>>, vector<16xi32>,
    } {sc.loop_unroll_factor = 8 : i64, sc.parallel_access}
    %dma_start3A_28 = arith.constant 0 : i32
    %dma_start3A_29 = tpu.memref_slice %arg11[%dma_start3A_28] : memref<1048576xf32, #tpu.memory_space<vmem_shared>> -> memref<1048576xf32, #tpu.memory_space<vmem_shared>>
    tpu.enqueue_indirect_dma source(%dma_start3A_29 : memref<1048576xf32, #tpu.memory_space<vmem_shared>>) target(%arg10 : memref<8192xf32, #tpu.memory_space<vmem>>) offsets(%arg8 : memref<8192xi32, #tpu.memory_space<vmem>>) semaphore(%arg15 : memref<!tpu.dma_semaphore, #tpu.memory_space<semaphore_mem>>)
    %add3A_30 = arith.constant 16384 : i32
    %add3A_31 = arith.addi %mul3A_2, %add3A_30 : i32
    %dma_start3A_32 = tpu.memref_slice %arg3[%add3A_31] : memref<4194304xf32, #tpu.memory_space<hbm>> -> memref<8192xf32, #tpu.memory_space<hbm>>
    %dma_start3A_33 = tpu.memref_slice %arg3[%add3A_31] : memref<4194304xf32, #tpu.memory_space<hbm>> -> memref<8192xf32, #tpu.memory_space<hbm>>
    tpu.enqueue_dma source(%dma_start3A_33 : memref<8192xf32, #tpu.memory_space<hbm>>) target(%arg5 : memref<8192xf32, #tpu.memory_space<vmem>>) target_semaphore(%arg12 : memref<!tpu.dma_semaphore, #tpu.memory_space<semaphore_mem>>)
    %dma_wait3A_34 = arith.constant 0 : i32
    %dma_wait3A_35 = tpu.memref_slice %arg11[%dma_wait3A_34] : memref<1048576xf32, #tpu.memory_space<vmem_shared>> -> memref<1048576xf32, #tpu.memory_space<vmem_shared>>
    tpu.wait_indirect_dma semaphore(%arg14 : memref<!tpu.dma_semaphore, #tpu.memory_space<semaphore_mem>>) src(%dma_wait3A_35 : memref<1048576xf32, #tpu.memory_space<vmem_shared>>) dst(%arg9 : memref<8192xf32, #tpu.memory_space<vmem>>)
    %add3A_36 = arith.constant 0 : i32
    %add3A_37 = arith.addi %mul3A_2, %add3A_36 : i32
    %dma_start3A_38 = tpu.memref_slice %arg4[%add3A_37] : memref<4194304xf32, #tpu.memory_space<hbm>> -> memref<8192xf32, #tpu.memory_space<hbm>>
    %dma_start3A_39 = tpu.memref_slice %arg4[%add3A_37] : memref<4194304xf32, #tpu.memory_space<hbm>> -> memref<8192xf32, #tpu.memory_space<hbm>>
    tpu.enqueue_dma source(%arg9 : memref<8192xf32, #tpu.memory_space<vmem>>) target(%dma_start3A_39 : memref<8192xf32, #tpu.memory_space<hbm>>) target_semaphore(%arg16 : memref<!tpu.dma_semaphore, #tpu.memory_space<semaphore_mem>>)
    %dma_wait3A_40 = tpu.memref_slice %arg3[%add3A_31] : memref<4194304xf32, #tpu.memory_space<hbm>> -> memref<8192xf32, #tpu.memory_space<hbm>>
    %dma_wait3A_41 = tpu.memref_slice %arg3[%add3A_31] : memref<4194304xf32, #tpu.memory_space<hbm>> -> memref<8192xf32, #tpu.memory_space<hbm>>
    tpu.wait_dma2 semaphore(%arg12 : memref<!tpu.dma_semaphore, #tpu.memory_space<semaphore_mem>>) src(%dma_wait3A_41 : memref<8192xf32, #tpu.memory_space<hbm>>) dst(%arg5 : memref<8192xf32, #tpu.memory_space<vmem>>)
    %parallel_loop3A_42 = arith.constant 0 : i32
    %parallel_loop3A_43 = arith.constant 8192 : i32
    %parallel_loop3A_44 = arith.constant 16 : i32
    scf.for %parallel_loop3A_312 = %parallel_loop3A_42 to %parallel_loop3A_43 step %parallel_loop3A_44  : i32 {
      %parallel_loop3A_313 = arith.index_cast %parallel_loop3A_312 : i32 to index
      %parallel_loop3A_314 = tpu.vector_load %arg5[%parallel_loop3A_313] {strides = array<i32>} : memref<8192xf32, #tpu.memory_space<vmem>>, vector<16xf32>,
      %parallel_loop3A_315 = vector.shape_cast %parallel_loop3A_314 : vector<16xf32> to vector<16xf32>
      %parallel_loop3A_316 = arith.fptosi %parallel_loop3A_315 : vector<16xf32> to vector<16xi32>
      %parallel_loop3A_317 = arith.index_cast %parallel_loop3A_312 : i32 to index
      %parallel_loop3A_318 = tpu.vector_load %arg7[%parallel_loop3A_317] {strides = array<i32>} : memref<8192xi32, #tpu.memory_space<vmem>>, vector<16xi32>,
      %parallel_loop3A_319 = vector.shape_cast %parallel_loop3A_318 : vector<16xi32> to vector<16xi32>
      %parallel_loop3A_320 = vector.shape_cast %parallel_loop3A_316 : vector<16xi32> to vector<16xi32>
      tpu.vector_store %arg7[%parallel_loop3A_317], %parallel_loop3A_320 {strides = array<i32>} : memref<8192xi32, #tpu.memory_space<vmem>>, vector<16xi32>,
    } {sc.loop_unroll_factor = 8 : i64, sc.parallel_access}
    %dma_wait3A_45 = tpu.memref_slice %arg4[%add3A_37] : memref<4194304xf32, #tpu.memory_space<hbm>> -> memref<8192xf32, #tpu.memory_space<hbm>>
    %dma_wait3A_46 = tpu.memref_slice %arg4[%add3A_37] : memref<4194304xf32, #tpu.memory_space<hbm>> -> memref<8192xf32, #tpu.memory_space<hbm>>
    tpu.wait_dma2 semaphore(%arg16 : memref<!tpu.dma_semaphore, #tpu.memory_space<semaphore_mem>>) src(%arg9 : memref<8192xf32, #tpu.memory_space<vmem>>) dst(%dma_wait3A_46 : memref<8192xf32, #tpu.memory_space<hbm>>)
    %dma_start3A_47 = arith.constant 0 : i32
    %dma_start3A_48 = tpu.memref_slice %arg11[%dma_start3A_47] : memref<1048576xf32, #tpu.memory_space<vmem_shared>> -> memref<1048576xf32, #tpu.memory_space<vmem_shared>>
    tpu.enqueue_indirect_dma source(%dma_start3A_48 : memref<1048576xf32, #tpu.memory_space<vmem_shared>>) target(%arg9 : memref<8192xf32, #tpu.memory_space<vmem>>) offsets(%arg7 : memref<8192xi32, #tpu.memory_space<vmem>>) semaphore(%arg14 : memref<!tpu.dma_semaphore, #tpu.memory_space<semaphore_mem>>)
    %add3A_49 = arith.constant 24576 : i32
    %add3A_50 = arith.addi %mul3A_2, %add3A_49 : i32
    %dma_start3A_51 = tpu.memref_slice %arg3[%add3A_50] : memref<4194304xf32, #tpu.memory_space<hbm>> -> memref<8192xf32, #tpu.memory_space<hbm>>
    %dma_start3A_52 = tpu.memref_slice %arg3[%add3A_50] : memref<4194304xf32, #tpu.memory_space<hbm>> -> memref<8192xf32, #tpu.memory_space<hbm>>
    tpu.enqueue_dma source(%dma_start3A_52 : memref<8192xf32, #tpu.memory_space<hbm>>) target(%arg6 : memref<8192xf32, #tpu.memory_space<vmem>>) target_semaphore(%arg13 : memref<!tpu.dma_semaphore, #tpu.memory_space<semaphore_mem>>)
    %dma_wait3A_53 = arith.constant 0 : i32
    %dma_wait3A_54 = tpu.memref_slice %arg11[%dma_wait3A_53] : memref<1048576xf32, #tpu.memory_space<vmem_shared>> -> memref<1048576xf32, #tpu.memory_space<vmem_shared>>
    tpu.wait_indirect_dma semaphore(%arg15 : memref<!tpu.dma_semaphore, #tpu.memory_space<semaphore_mem>>) src(%dma_wait3A_54 : memref<1048576xf32, #tpu.memory_space<vmem_shared>>) dst(%arg10 : memref<8192xf32, #tpu.memory_space<vmem>>)
    %add3A_55 = arith.constant 8192 : i32
    %add3A_56 = arith.addi %mul3A_2, %add3A_55 : i32
    %dma_start3A_57 = tpu.memref_slice %arg4[%add3A_56] : memref<4194304xf32, #tpu.memory_space<hbm>> -> memref<8192xf32, #tpu.memory_space<hbm>>
    %dma_start3A_58 = tpu.memref_slice %arg4[%add3A_56] : memref<4194304xf32, #tpu.memory_space<hbm>> -> memref<8192xf32, #tpu.memory_space<hbm>>
    tpu.enqueue_dma source(%arg10 : memref<8192xf32, #tpu.memory_space<vmem>>) target(%dma_start3A_58 : memref<8192xf32, #tpu.memory_space<hbm>>) target_semaphore(%arg17 : memref<!tpu.dma_semaphore, #tpu.memory_space<semaphore_mem>>)
    %dma_wait3A_59 = tpu.memref_slice %arg3[%add3A_50] : memref<4194304xf32, #tpu.memory_space<hbm>> -> memref<8192xf32, #tpu.memory_space<hbm>>
    %dma_wait3A_60 = tpu.memref_slice %arg3[%add3A_50] : memref<4194304xf32, #tpu.memory_space<hbm>> -> memref<8192xf32, #tpu.memory_space<hbm>>
    tpu.wait_dma2 semaphore(%arg13 : memref<!tpu.dma_semaphore, #tpu.memory_space<semaphore_mem>>) src(%dma_wait3A_60 : memref<8192xf32, #tpu.memory_space<hbm>>) dst(%arg6 : memref<8192xf32, #tpu.memory_space<vmem>>)
    %parallel_loop3A_61 = arith.constant 0 : i32
    %parallel_loop3A_62 = arith.constant 8192 : i32
    %parallel_loop3A_63 = arith.constant 16 : i32
    scf.for %parallel_loop3A_312 = %parallel_loop3A_61 to %parallel_loop3A_62 step %parallel_loop3A_63  : i32 {
      %parallel_loop3A_313 = arith.index_cast %parallel_loop3A_312 : i32 to index
      %parallel_loop3A_314 = tpu.vector_load %arg6[%parallel_loop3A_313] {strides = array<i32>} : memref<8192xf32, #tpu.memory_space<vmem>>, vector<16xf32>,
      %parallel_loop3A_315 = vector.shape_cast %parallel_loop3A_314 : vector<16xf32> to vector<16xf32>
      %parallel_loop3A_316 = arith.fptosi %parallel_loop3A_315 : vector<16xf32> to vector<16xi32>
      %parallel_loop3A_317 = arith.index_cast %parallel_loop3A_312 : i32 to index
      %parallel_loop3A_318 = tpu.vector_load %arg8[%parallel_loop3A_317] {strides = array<i32>} : memref<8192xi32, #tpu.memory_space<vmem>>, vector<16xi32>,
      %parallel_loop3A_319 = vector.shape_cast %parallel_loop3A_318 : vector<16xi32> to vector<16xi32>
      %parallel_loop3A_320 = vector.shape_cast %parallel_loop3A_316 : vector<16xi32> to vector<16xi32>
      tpu.vector_store %arg8[%parallel_loop3A_317], %parallel_loop3A_320 {strides = array<i32>} : memref<8192xi32, #tpu.memory_space<vmem>>, vector<16xi32>,
    } {sc.loop_unroll_factor = 8 : i64, sc.parallel_access}
    %dma_wait3A_64 = tpu.memref_slice %arg4[%add3A_56] : memref<4194304xf32, #tpu.memory_space<hbm>> -> memref<8192xf32, #tpu.memory_space<hbm>>
    %dma_wait3A_65 = tpu.memref_slice %arg4[%add3A_56] : memref<4194304xf32, #tpu.memory_space<hbm>> -> memref<8192xf32, #tpu.memory_space<hbm>>
    tpu.wait_dma2 semaphore(%arg17 : memref<!tpu.dma_semaphore, #tpu.memory_space<semaphore_mem>>) src(%arg10 : memref<8192xf32, #tpu.memory_space<vmem>>) dst(%dma_wait3A_65 : memref<8192xf32, #tpu.memory_space<hbm>>)
    %dma_start3A_66 = arith.constant 0 : i32
    %dma_start3A_67 = tpu.memref_slice %arg11[%dma_start3A_66] : memref<1048576xf32, #tpu.memory_space<vmem_shared>> -> memref<1048576xf32, #tpu.memory_space<vmem_shared>>
    tpu.enqueue_indirect_dma source(%dma_start3A_67 : memref<1048576xf32, #tpu.memory_space<vmem_shared>>) target(%arg10 : memref<8192xf32, #tpu.memory_space<vmem>>) offsets(%arg8 : memref<8192xi32, #tpu.memory_space<vmem>>) semaphore(%arg15 : memref<!tpu.dma_semaphore, #tpu.memory_space<semaphore_mem>>)
    %add3A_68 = arith.constant 32768 : i32
    %add3A_69 = arith.addi %mul3A_2, %add3A_68 : i32
    %dma_start3A_70 = tpu.memref_slice %arg3[%add3A_69] : memref<4194304xf32, #tpu.memory_space<hbm>> -> memref<8192xf32, #tpu.memory_space<hbm>>
    %dma_start3A_71 = tpu.memref_slice %arg3[%add3A_69] : memref<4194304xf32, #tpu.memory_space<hbm>> -> memref<8192xf32, #tpu.memory_space<hbm>>
    tpu.enqueue_dma source(%dma_start3A_71 : memref<8192xf32, #tpu.memory_space<hbm>>) target(%arg5 : memref<8192xf32, #tpu.memory_space<vmem>>) target_semaphore(%arg12 : memref<!tpu.dma_semaphore, #tpu.memory_space<semaphore_mem>>)
    %dma_wait3A_72 = arith.constant 0 : i32
    %dma_wait3A_73 = tpu.memref_slice %arg11[%dma_wait3A_72] : memref<1048576xf32, #tpu.memory_space<vmem_shared>> -> memref<1048576xf32, #tpu.memory_space<vmem_shared>>
    tpu.wait_indirect_dma semaphore(%arg14 : memref<!tpu.dma_semaphore, #tpu.memory_space<semaphore_mem>>) src(%dma_wait3A_73 : memref<1048576xf32, #tpu.memory_space<vmem_shared>>) dst(%arg9 : memref<8192xf32, #tpu.memory_space<vmem>>)
    %add3A_74 = arith.constant 16384 : i32
    %add3A_75 = arith.addi %mul3A_2, %add3A_74 : i32
    %dma_start3A_76 = tpu.memref_slice %arg4[%add3A_75] : memref<4194304xf32, #tpu.memory_space<hbm>> -> memref<8192xf32, #tpu.memory_space<hbm>>
    %dma_start3A_77 = tpu.memref_slice %arg4[%add3A_75] : memref<4194304xf32, #tpu.memory_space<hbm>> -> memref<8192xf32, #tpu.memory_space<hbm>>
    tpu.enqueue_dma source(%arg9 : memref<8192xf32, #tpu.memory_space<vmem>>) target(%dma_start3A_77 : memref<8192xf32, #tpu.memory_space<hbm>>) target_semaphore(%arg16 : memref<!tpu.dma_semaphore, #tpu.memory_space<semaphore_mem>>)
    %dma_wait3A_78 = tpu.memref_slice %arg3[%add3A_69] : memref<4194304xf32, #tpu.memory_space<hbm>> -> memref<8192xf32, #tpu.memory_space<hbm>>
    %dma_wait3A_79 = tpu.memref_slice %arg3[%add3A_69] : memref<4194304xf32, #tpu.memory_space<hbm>> -> memref<8192xf32, #tpu.memory_space<hbm>>
    tpu.wait_dma2 semaphore(%arg12 : memref<!tpu.dma_semaphore, #tpu.memory_space<semaphore_mem>>) src(%dma_wait3A_79 : memref<8192xf32, #tpu.memory_space<hbm>>) dst(%arg5 : memref<8192xf32, #tpu.memory_space<vmem>>)
    %parallel_loop3A_80 = arith.constant 0 : i32
    %parallel_loop3A_81 = arith.constant 8192 : i32
    %parallel_loop3A_82 = arith.constant 16 : i32
    scf.for %parallel_loop3A_312 = %parallel_loop3A_80 to %parallel_loop3A_81 step %parallel_loop3A_82  : i32 {
      %parallel_loop3A_313 = arith.index_cast %parallel_loop3A_312 : i32 to index
      %parallel_loop3A_314 = tpu.vector_load %arg5[%parallel_loop3A_313] {strides = array<i32>} : memref<8192xf32, #tpu.memory_space<vmem>>, vector<16xf32>,
      %parallel_loop3A_315 = vector.shape_cast %parallel_loop3A_314 : vector<16xf32> to vector<16xf32>
      %parallel_loop3A_316 = arith.fptosi %parallel_loop3A_315 : vector<16xf32> to vector<16xi32>
      %parallel_loop3A_317 = arith.index_cast %parallel_loop3A_312 : i32 to index
      %parallel_loop3A_318 = tpu.vector_load %arg7[%parallel_loop3A_317] {strides = array<i32>} : memref<8192xi32, #tpu.memory_space<vmem>>, vector<16xi32>,
      %parallel_loop3A_319 = vector.shape_cast %parallel_loop3A_318 : vector<16xi32> to vector<16xi32>
      %parallel_loop3A_320 = vector.shape_cast %parallel_loop3A_316 : vector<16xi32> to vector<16xi32>
      tpu.vector_store %arg7[%parallel_loop3A_317], %parallel_loop3A_320 {strides = array<i32>} : memref<8192xi32, #tpu.memory_space<vmem>>, vector<16xi32>,
    } {sc.loop_unroll_factor = 8 : i64, sc.parallel_access}
    %dma_wait3A_83 = tpu.memref_slice %arg4[%add3A_75] : memref<4194304xf32, #tpu.memory_space<hbm>> -> memref<8192xf32, #tpu.memory_space<hbm>>
    %dma_wait3A_84 = tpu.memref_slice %arg4[%add3A_75] : memref<4194304xf32, #tpu.memory_space<hbm>> -> memref<8192xf32, #tpu.memory_space<hbm>>
    tpu.wait_dma2 semaphore(%arg16 : memref<!tpu.dma_semaphore, #tpu.memory_space<semaphore_mem>>) src(%arg9 : memref<8192xf32, #tpu.memory_space<vmem>>) dst(%dma_wait3A_84 : memref<8192xf32, #tpu.memory_space<hbm>>)
    %dma_start3A_85 = arith.constant 0 : i32
    %dma_start3A_86 = tpu.memref_slice %arg11[%dma_start3A_85] : memref<1048576xf32, #tpu.memory_space<vmem_shared>> -> memref<1048576xf32, #tpu.memory_space<vmem_shared>>
    tpu.enqueue_indirect_dma source(%dma_start3A_86 : memref<1048576xf32, #tpu.memory_space<vmem_shared>>) target(%arg9 : memref<8192xf32, #tpu.memory_space<vmem>>) offsets(%arg7 : memref<8192xi32, #tpu.memory_space<vmem>>) semaphore(%arg14 : memref<!tpu.dma_semaphore, #tpu.memory_space<semaphore_mem>>)
    %add3A_87 = arith.constant 40960 : i32
    %add3A_88 = arith.addi %mul3A_2, %add3A_87 : i32
    %dma_start3A_89 = tpu.memref_slice %arg3[%add3A_88] : memref<4194304xf32, #tpu.memory_space<hbm>> -> memref<8192xf32, #tpu.memory_space<hbm>>
    %dma_start3A_90 = tpu.memref_slice %arg3[%add3A_88] : memref<4194304xf32, #tpu.memory_space<hbm>> -> memref<8192xf32, #tpu.memory_space<hbm>>
    tpu.enqueue_dma source(%dma_start3A_90 : memref<8192xf32, #tpu.memory_space<hbm>>) target(%arg6 : memref<8192xf32, #tpu.memory_space<vmem>>) target_semaphore(%arg13 : memref<!tpu.dma_semaphore, #tpu.memory_space<semaphore_mem>>)
    %dma_wait3A_91 = arith.constant 0 : i32
    %dma_wait3A_92 = tpu.memref_slice %arg11[%dma_wait3A_91] : memref<1048576xf32, #tpu.memory_space<vmem_shared>> -> memref<1048576xf32, #tpu.memory_space<vmem_shared>>
    tpu.wait_indirect_dma semaphore(%arg15 : memref<!tpu.dma_semaphore, #tpu.memory_space<semaphore_mem>>) src(%dma_wait3A_92 : memref<1048576xf32, #tpu.memory_space<vmem_shared>>) dst(%arg10 : memref<8192xf32, #tpu.memory_space<vmem>>)
    %add3A_93 = arith.constant 24576 : i32
    %add3A_94 = arith.addi %mul3A_2, %add3A_93 : i32
    %dma_start3A_95 = tpu.memref_slice %arg4[%add3A_94] : memref<4194304xf32, #tpu.memory_space<hbm>> -> memref<8192xf32, #tpu.memory_space<hbm>>
    %dma_start3A_96 = tpu.memref_slice %arg4[%add3A_94] : memref<4194304xf32, #tpu.memory_space<hbm>> -> memref<8192xf32, #tpu.memory_space<hbm>>
    tpu.enqueue_dma source(%arg10 : memref<8192xf32, #tpu.memory_space<vmem>>) target(%dma_start3A_96 : memref<8192xf32, #tpu.memory_space<hbm>>) target_semaphore(%arg17 : memref<!tpu.dma_semaphore, #tpu.memory_space<semaphore_mem>>)
    %dma_wait3A_97 = tpu.memref_slice %arg3[%add3A_88] : memref<4194304xf32, #tpu.memory_space<hbm>> -> memref<8192xf32, #tpu.memory_space<hbm>>
    %dma_wait3A_98 = tpu.memref_slice %arg3[%add3A_88] : memref<4194304xf32, #tpu.memory_space<hbm>> -> memref<8192xf32, #tpu.memory_space<hbm>>
    tpu.wait_dma2 semaphore(%arg13 : memref<!tpu.dma_semaphore, #tpu.memory_space<semaphore_mem>>) src(%dma_wait3A_98 : memref<8192xf32, #tpu.memory_space<hbm>>) dst(%arg6 : memref<8192xf32, #tpu.memory_space<vmem>>)
    %parallel_loop3A_99 = arith.constant 0 : i32
    %parallel_loop3A_100 = arith.constant 8192 : i32
    %parallel_loop3A_101 = arith.constant 16 : i32
    scf.for %parallel_loop3A_312 = %parallel_loop3A_99 to %parallel_loop3A_100 step %parallel_loop3A_101  : i32 {
      %parallel_loop3A_313 = arith.index_cast %parallel_loop3A_312 : i32 to index
      %parallel_loop3A_314 = tpu.vector_load %arg6[%parallel_loop3A_313] {strides = array<i32>} : memref<8192xf32, #tpu.memory_space<vmem>>, vector<16xf32>,
      %parallel_loop3A_315 = vector.shape_cast %parallel_loop3A_314 : vector<16xf32> to vector<16xf32>
      %parallel_loop3A_316 = arith.fptosi %parallel_loop3A_315 : vector<16xf32> to vector<16xi32>
      %parallel_loop3A_317 = arith.index_cast %parallel_loop3A_312 : i32 to index
      %parallel_loop3A_318 = tpu.vector_load %arg8[%parallel_loop3A_317] {strides = array<i32>} : memref<8192xi32, #tpu.memory_space<vmem>>, vector<16xi32>,
      %parallel_loop3A_319 = vector.shape_cast %parallel_loop3A_318 : vector<16xi32> to vector<16xi32>
      %parallel_loop3A_320 = vector.shape_cast %parallel_loop3A_316 : vector<16xi32> to vector<16xi32>
      tpu.vector_store %arg8[%parallel_loop3A_317], %parallel_loop3A_320 {strides = array<i32>} : memref<8192xi32, #tpu.memory_space<vmem>>, vector<16xi32>,
    } {sc.loop_unroll_factor = 8 : i64, sc.parallel_access}
    %dma_wait3A_102 = tpu.memref_slice %arg4[%add3A_94] : memref<4194304xf32, #tpu.memory_space<hbm>> -> memref<8192xf32, #tpu.memory_space<hbm>>
    %dma_wait3A_103 = tpu.memref_slice %arg4[%add3A_94] : memref<4194304xf32, #tpu.memory_space<hbm>> -> memref<8192xf32, #tpu.memory_space<hbm>>
    tpu.wait_dma2 semaphore(%arg17 : memref<!tpu.dma_semaphore, #tpu.memory_space<semaphore_mem>>) src(%arg10 : memref<8192xf32, #tpu.memory_space<vmem>>) dst(%dma_wait3A_103 : memref<8192xf32, #tpu.memory_space<hbm>>)
    %dma_start3A_104 = arith.constant 0 : i32
    %dma_start3A_105 = tpu.memref_slice %arg11[%dma_start3A_104] : memref<1048576xf32, #tpu.memory_space<vmem_shared>> -> memref<1048576xf32, #tpu.memory_space<vmem_shared>>
    tpu.enqueue_indirect_dma source(%dma_start3A_105 : memref<1048576xf32, #tpu.memory_space<vmem_shared>>) target(%arg10 : memref<8192xf32, #tpu.memory_space<vmem>>) offsets(%arg8 : memref<8192xi32, #tpu.memory_space<vmem>>) semaphore(%arg15 : memref<!tpu.dma_semaphore, #tpu.memory_space<semaphore_mem>>)
    %add3A_106 = arith.constant 49152 : i32
    %add3A_107 = arith.addi %mul3A_2, %add3A_106 : i32
    %dma_start3A_108 = tpu.memref_slice %arg3[%add3A_107] : memref<4194304xf32, #tpu.memory_space<hbm>> -> memref<8192xf32, #tpu.memory_space<hbm>>
    %dma_start3A_109 = tpu.memref_slice %arg3[%add3A_107] : memref<4194304xf32, #tpu.memory_space<hbm>> -> memref<8192xf32, #tpu.memory_space<hbm>>
    tpu.enqueue_dma source(%dma_start3A_109 : memref<8192xf32, #tpu.memory_space<hbm>>) target(%arg5 : memref<8192xf32, #tpu.memory_space<vmem>>) target_semaphore(%arg12 : memref<!tpu.dma_semaphore, #tpu.memory_space<semaphore_mem>>)
    %dma_wait3A_110 = arith.constant 0 : i32
    %dma_wait3A_111 = tpu.memref_slice %arg11[%dma_wait3A_110] : memref<1048576xf32, #tpu.memory_space<vmem_shared>> -> memref<1048576xf32, #tpu.memory_space<vmem_shared>>
    tpu.wait_indirect_dma semaphore(%arg14 : memref<!tpu.dma_semaphore, #tpu.memory_space<semaphore_mem>>) src(%dma_wait3A_111 : memref<1048576xf32, #tpu.memory_space<vmem_shared>>) dst(%arg9 : memref<8192xf32, #tpu.memory_space<vmem>>)
    %add3A_112 = arith.constant 32768 : i32
    %add3A_113 = arith.addi %mul3A_2, %add3A_112 : i32
    %dma_start3A_114 = tpu.memref_slice %arg4[%add3A_113] : memref<4194304xf32, #tpu.memory_space<hbm>> -> memref<8192xf32, #tpu.memory_space<hbm>>
    %dma_start3A_115 = tpu.memref_slice %arg4[%add3A_113] : memref<4194304xf32, #tpu.memory_space<hbm>> -> memref<8192xf32, #tpu.memory_space<hbm>>
    tpu.enqueue_dma source(%arg9 : memref<8192xf32, #tpu.memory_space<vmem>>) target(%dma_start3A_115 : memref<8192xf32, #tpu.memory_space<hbm>>) target_semaphore(%arg16 : memref<!tpu.dma_semaphore, #tpu.memory_space<semaphore_mem>>)
    %dma_wait3A_116 = tpu.memref_slice %arg3[%add3A_107] : memref<4194304xf32, #tpu.memory_space<hbm>> -> memref<8192xf32, #tpu.memory_space<hbm>>
    %dma_wait3A_117 = tpu.memref_slice %arg3[%add3A_107] : memref<4194304xf32, #tpu.memory_space<hbm>> -> memref<8192xf32, #tpu.memory_space<hbm>>
    tpu.wait_dma2 semaphore(%arg12 : memref<!tpu.dma_semaphore, #tpu.memory_space<semaphore_mem>>) src(%dma_wait3A_117 : memref<8192xf32, #tpu.memory_space<hbm>>) dst(%arg5 : memref<8192xf32, #tpu.memory_space<vmem>>)
    %parallel_loop3A_118 = arith.constant 0 : i32
    %parallel_loop3A_119 = arith.constant 8192 : i32
    %parallel_loop3A_120 = arith.constant 16 : i32
    scf.for %parallel_loop3A_312 = %parallel_loop3A_118 to %parallel_loop3A_119 step %parallel_loop3A_120  : i32 {
      %parallel_loop3A_313 = arith.index_cast %parallel_loop3A_312 : i32 to index
      %parallel_loop3A_314 = tpu.vector_load %arg5[%parallel_loop3A_313] {strides = array<i32>} : memref<8192xf32, #tpu.memory_space<vmem>>, vector<16xf32>,
      %parallel_loop3A_315 = vector.shape_cast %parallel_loop3A_314 : vector<16xf32> to vector<16xf32>
      %parallel_loop3A_316 = arith.fptosi %parallel_loop3A_315 : vector<16xf32> to vector<16xi32>
      %parallel_loop3A_317 = arith.index_cast %parallel_loop3A_312 : i32 to index
      %parallel_loop3A_318 = tpu.vector_load %arg7[%parallel_loop3A_317] {strides = array<i32>} : memref<8192xi32, #tpu.memory_space<vmem>>, vector<16xi32>,
      %parallel_loop3A_319 = vector.shape_cast %parallel_loop3A_318 : vector<16xi32> to vector<16xi32>
      %parallel_loop3A_320 = vector.shape_cast %parallel_loop3A_316 : vector<16xi32> to vector<16xi32>
      tpu.vector_store %arg7[%parallel_loop3A_317], %parallel_loop3A_320 {strides = array<i32>} : memref<8192xi32, #tpu.memory_space<vmem>>, vector<16xi32>,
    } {sc.loop_unroll_factor = 8 : i64, sc.parallel_access}
    %dma_wait3A_121 = tpu.memref_slice %arg4[%add3A_113] : memref<4194304xf32, #tpu.memory_space<hbm>> -> memref<8192xf32, #tpu.memory_space<hbm>>
    %dma_wait3A_122 = tpu.memref_slice %arg4[%add3A_113] : memref<4194304xf32, #tpu.memory_space<hbm>> -> memref<8192xf32, #tpu.memory_space<hbm>>
    tpu.wait_dma2 semaphore(%arg16 : memref<!tpu.dma_semaphore, #tpu.memory_space<semaphore_mem>>) src(%arg9 : memref<8192xf32, #tpu.memory_space<vmem>>) dst(%dma_wait3A_122 : memref<8192xf32, #tpu.memory_space<hbm>>)
    %dma_start3A_123 = arith.constant 0 : i32
    %dma_start3A_124 = tpu.memref_slice %arg11[%dma_start3A_123] : memref<1048576xf32, #tpu.memory_space<vmem_shared>> -> memref<1048576xf32, #tpu.memory_space<vmem_shared>>
    tpu.enqueue_indirect_dma source(%dma_start3A_124 : memref<1048576xf32, #tpu.memory_space<vmem_shared>>) target(%arg9 : memref<8192xf32, #tpu.memory_space<vmem>>) offsets(%arg7 : memref<8192xi32, #tpu.memory_space<vmem>>) semaphore(%arg14 : memref<!tpu.dma_semaphore, #tpu.memory_space<semaphore_mem>>)
    %add3A_125 = arith.constant 57344 : i32
    %add3A_126 = arith.addi %mul3A_2, %add3A_125 : i32
    %dma_start3A_127 = tpu.memref_slice %arg3[%add3A_126] : memref<4194304xf32, #tpu.memory_space<hbm>> -> memref<8192xf32, #tpu.memory_space<hbm>>
    %dma_start3A_128 = tpu.memref_slice %arg3[%add3A_126] : memref<4194304xf32, #tpu.memory_space<hbm>> -> memref<8192xf32, #tpu.memory_space<hbm>>
    tpu.enqueue_dma source(%dma_start3A_128 : memref<8192xf32, #tpu.memory_space<hbm>>) target(%arg6 : memref<8192xf32, #tpu.memory_space<vmem>>) target_semaphore(%arg13 : memref<!tpu.dma_semaphore, #tpu.memory_space<semaphore_mem>>)
    %dma_wait3A_129 = arith.constant 0 : i32
    %dma_wait3A_130 = tpu.memref_slice %arg11[%dma_wait3A_129] : memref<1048576xf32, #tpu.memory_space<vmem_shared>> -> memref<1048576xf32, #tpu.memory_space<vmem_shared>>
    tpu.wait_indirect_dma semaphore(%arg15 : memref<!tpu.dma_semaphore, #tpu.memory_space<semaphore_mem>>) src(%dma_wait3A_130 : memref<1048576xf32, #tpu.memory_space<vmem_shared>>) dst(%arg10 : memref<8192xf32, #tpu.memory_space<vmem>>)
    %add3A_131 = arith.constant 40960 : i32
    %add3A_132 = arith.addi %mul3A_2, %add3A_131 : i32
    %dma_start3A_133 = tpu.memref_slice %arg4[%add3A_132] : memref<4194304xf32, #tpu.memory_space<hbm>> -> memref<8192xf32, #tpu.memory_space<hbm>>
    %dma_start3A_134 = tpu.memref_slice %arg4[%add3A_132] : memref<4194304xf32, #tpu.memory_space<hbm>> -> memref<8192xf32, #tpu.memory_space<hbm>>
    tpu.enqueue_dma source(%arg10 : memref<8192xf32, #tpu.memory_space<vmem>>) target(%dma_start3A_134 : memref<8192xf32, #tpu.memory_space<hbm>>) target_semaphore(%arg17 : memref<!tpu.dma_semaphore, #tpu.memory_space<semaphore_mem>>)
    %dma_wait3A_135 = tpu.memref_slice %arg3[%add3A_126] : memref<4194304xf32, #tpu.memory_space<hbm>> -> memref<8192xf32, #tpu.memory_space<hbm>>
    %dma_wait3A_136 = tpu.memref_slice %arg3[%add3A_126] : memref<4194304xf32, #tpu.memory_space<hbm>> -> memref<8192xf32, #tpu.memory_space<hbm>>
    tpu.wait_dma2 semaphore(%arg13 : memref<!tpu.dma_semaphore, #tpu.memory_space<semaphore_mem>>) src(%dma_wait3A_136 : memref<8192xf32, #tpu.memory_space<hbm>>) dst(%arg6 : memref<8192xf32, #tpu.memory_space<vmem>>)
    %parallel_loop3A_137 = arith.constant 0 : i32
    %parallel_loop3A_138 = arith.constant 8192 : i32
    %parallel_loop3A_139 = arith.constant 16 : i32
    scf.for %parallel_loop3A_312 = %parallel_loop3A_137 to %parallel_loop3A_138 step %parallel_loop3A_139  : i32 {
      %parallel_loop3A_313 = arith.index_cast %parallel_loop3A_312 : i32 to index
      %parallel_loop3A_314 = tpu.vector_load %arg6[%parallel_loop3A_313] {strides = array<i32>} : memref<8192xf32, #tpu.memory_space<vmem>>, vector<16xf32>,
      %parallel_loop3A_315 = vector.shape_cast %parallel_loop3A_314 : vector<16xf32> to vector<16xf32>
      %parallel_loop3A_316 = arith.fptosi %parallel_loop3A_315 : vector<16xf32> to vector<16xi32>
      %parallel_loop3A_317 = arith.index_cast %parallel_loop3A_312 : i32 to index
      %parallel_loop3A_318 = tpu.vector_load %arg8[%parallel_loop3A_317] {strides = array<i32>} : memref<8192xi32, #tpu.memory_space<vmem>>, vector<16xi32>,
      %parallel_loop3A_319 = vector.shape_cast %parallel_loop3A_318 : vector<16xi32> to vector<16xi32>
      %parallel_loop3A_320 = vector.shape_cast %parallel_loop3A_316 : vector<16xi32> to vector<16xi32>
      tpu.vector_store %arg8[%parallel_loop3A_317], %parallel_loop3A_320 {strides = array<i32>} : memref<8192xi32, #tpu.memory_space<vmem>>, vector<16xi32>,
    } {sc.loop_unroll_factor = 8 : i64, sc.parallel_access}
    %dma_wait3A_140 = tpu.memref_slice %arg4[%add3A_132] : memref<4194304xf32, #tpu.memory_space<hbm>> -> memref<8192xf32, #tpu.memory_space<hbm>>
    %dma_wait3A_141 = tpu.memref_slice %arg4[%add3A_132] : memref<4194304xf32, #tpu.memory_space<hbm>> -> memref<8192xf32, #tpu.memory_space<hbm>>
    tpu.wait_dma2 semaphore(%arg17 : memref<!tpu.dma_semaphore, #tpu.memory_space<semaphore_mem>>) src(%arg10 : memref<8192xf32, #tpu.memory_space<vmem>>) dst(%dma_wait3A_141 : memref<8192xf32, #tpu.memory_space<hbm>>)
    %dma_start3A_142 = arith.constant 0 : i32
    %dma_start3A_143 = tpu.memref_slice %arg11[%dma_start3A_142] : memref<1048576xf32, #tpu.memory_space<vmem_shared>> -> memref<1048576xf32, #tpu.memory_space<vmem_shared>>
    tpu.enqueue_indirect_dma source(%dma_start3A_143 : memref<1048576xf32, #tpu.memory_space<vmem_shared>>) target(%arg10 : memref<8192xf32, #tpu.memory_space<vmem>>) offsets(%arg8 : memref<8192xi32, #tpu.memory_space<vmem>>) semaphore(%arg15 : memref<!tpu.dma_semaphore, #tpu.memory_space<semaphore_mem>>)
    %add3A_144 = arith.constant 65536 : i32
    %add3A_145 = arith.addi %mul3A_2, %add3A_144 : i32
    %dma_start3A_146 = tpu.memref_slice %arg3[%add3A_145] : memref<4194304xf32, #tpu.memory_space<hbm>> -> memref<8192xf32, #tpu.memory_space<hbm>>
    %dma_start3A_147 = tpu.memref_slice %arg3[%add3A_145] : memref<4194304xf32, #tpu.memory_space<hbm>> -> memref<8192xf32, #tpu.memory_space<hbm>>
    tpu.enqueue_dma source(%dma_start3A_147 : memref<8192xf32, #tpu.memory_space<hbm>>) target(%arg5 : memref<8192xf32, #tpu.memory_space<vmem>>) target_semaphore(%arg12 : memref<!tpu.dma_semaphore, #tpu.memory_space<semaphore_mem>>)
    %dma_wait3A_148 = arith.constant 0 : i32
    %dma_wait3A_149 = tpu.memref_slice %arg11[%dma_wait3A_148] : memref<1048576xf32, #tpu.memory_space<vmem_shared>> -> memref<1048576xf32, #tpu.memory_space<vmem_shared>>
    tpu.wait_indirect_dma semaphore(%arg14 : memref<!tpu.dma_semaphore, #tpu.memory_space<semaphore_mem>>) src(%dma_wait3A_149 : memref<1048576xf32, #tpu.memory_space<vmem_shared>>) dst(%arg9 : memref<8192xf32, #tpu.memory_space<vmem>>)
    %add3A_150 = arith.constant 49152 : i32
    %add3A_151 = arith.addi %mul3A_2, %add3A_150 : i32
    %dma_start3A_152 = tpu.memref_slice %arg4[%add3A_151] : memref<4194304xf32, #tpu.memory_space<hbm>> -> memref<8192xf32, #tpu.memory_space<hbm>>
    %dma_start3A_153 = tpu.memref_slice %arg4[%add3A_151] : memref<4194304xf32, #tpu.memory_space<hbm>> -> memref<8192xf32, #tpu.memory_space<hbm>>
    tpu.enqueue_dma source(%arg9 : memref<8192xf32, #tpu.memory_space<vmem>>) target(%dma_start3A_153 : memref<8192xf32, #tpu.memory_space<hbm>>) target_semaphore(%arg16 : memref<!tpu.dma_semaphore, #tpu.memory_space<semaphore_mem>>)
    %dma_wait3A_154 = tpu.memref_slice %arg3[%add3A_145] : memref<4194304xf32, #tpu.memory_space<hbm>> -> memref<8192xf32, #tpu.memory_space<hbm>>
    %dma_wait3A_155 = tpu.memref_slice %arg3[%add3A_145] : memref<4194304xf32, #tpu.memory_space<hbm>> -> memref<8192xf32, #tpu.memory_space<hbm>>
    tpu.wait_dma2 semaphore(%arg12 : memref<!tpu.dma_semaphore, #tpu.memory_space<semaphore_mem>>) src(%dma_wait3A_155 : memref<8192xf32, #tpu.memory_space<hbm>>) dst(%arg5 : memref<8192xf32, #tpu.memory_space<vmem>>)
    %parallel_loop3A_156 = arith.constant 0 : i32
    %parallel_loop3A_157 = arith.constant 8192 : i32
    %parallel_loop3A_158 = arith.constant 16 : i32
    scf.for %parallel_loop3A_312 = %parallel_loop3A_156 to %parallel_loop3A_157 step %parallel_loop3A_158  : i32 {
      %parallel_loop3A_313 = arith.index_cast %parallel_loop3A_312 : i32 to index
      %parallel_loop3A_314 = tpu.vector_load %arg5[%parallel_loop3A_313] {strides = array<i32>} : memref<8192xf32, #tpu.memory_space<vmem>>, vector<16xf32>,
      %parallel_loop3A_315 = vector.shape_cast %parallel_loop3A_314 : vector<16xf32> to vector<16xf32>
      %parallel_loop3A_316 = arith.fptosi %parallel_loop3A_315 : vector<16xf32> to vector<16xi32>
      %parallel_loop3A_317 = arith.index_cast %parallel_loop3A_312 : i32 to index
      %parallel_loop3A_318 = tpu.vector_load %arg7[%parallel_loop3A_317] {strides = array<i32>} : memref<8192xi32, #tpu.memory_space<vmem>>, vector<16xi32>,
      %parallel_loop3A_319 = vector.shape_cast %parallel_loop3A_318 : vector<16xi32> to vector<16xi32>
      %parallel_loop3A_320 = vector.shape_cast %parallel_loop3A_316 : vector<16xi32> to vector<16xi32>
      tpu.vector_store %arg7[%parallel_loop3A_317], %parallel_loop3A_320 {strides = array<i32>} : memref<8192xi32, #tpu.memory_space<vmem>>, vector<16xi32>,
    } {sc.loop_unroll_factor = 8 : i64, sc.parallel_access}
    %dma_wait3A_159 = tpu.memref_slice %arg4[%add3A_151] : memref<4194304xf32, #tpu.memory_space<hbm>> -> memref<8192xf32, #tpu.memory_space<hbm>>
    %dma_wait3A_160 = tpu.memref_slice %arg4[%add3A_151] : memref<4194304xf32, #tpu.memory_space<hbm>> -> memref<8192xf32, #tpu.memory_space<hbm>>
    tpu.wait_dma2 semaphore(%arg16 : memref<!tpu.dma_semaphore, #tpu.memory_space<semaphore_mem>>) src(%arg9 : memref<8192xf32, #tpu.memory_space<vmem>>) dst(%dma_wait3A_160 : memref<8192xf32, #tpu.memory_space<hbm>>)
    %dma_start3A_161 = arith.constant 0 : i32
    %dma_start3A_162 = tpu.memref_slice %arg11[%dma_start3A_161] : memref<1048576xf32, #tpu.memory_space<vmem_shared>> -> memref<1048576xf32, #tpu.memory_space<vmem_shared>>
    tpu.enqueue_indirect_dma source(%dma_start3A_162 : memref<1048576xf32, #tpu.memory_space<vmem_shared>>) target(%arg9 : memref<8192xf32, #tpu.memory_space<vmem>>) offsets(%arg7 : memref<8192xi32, #tpu.memory_space<vmem>>) semaphore(%arg14 : memref<!tpu.dma_semaphore, #tpu.memory_space<semaphore_mem>>)
    %add3A_163 = arith.constant 73728 : i32
    %add3A_164 = arith.addi %mul3A_2, %add3A_163 : i32
    %dma_start3A_165 = tpu.memref_slice %arg3[%add3A_164] : memref<4194304xf32, #tpu.memory_space<hbm>> -> memref<8192xf32, #tpu.memory_space<hbm>>
    %dma_start3A_166 = tpu.memref_slice %arg3[%add3A_164] : memref<4194304xf32, #tpu.memory_space<hbm>> -> memref<8192xf32, #tpu.memory_space<hbm>>
    tpu.enqueue_dma source(%dma_start3A_166 : memref<8192xf32, #tpu.memory_space<hbm>>) target(%arg6 : memref<8192xf32, #tpu.memory_space<vmem>>) target_semaphore(%arg13 : memref<!tpu.dma_semaphore, #tpu.memory_space<semaphore_mem>>)
    %dma_wait3A_167 = arith.constant 0 : i32
    %dma_wait3A_168 = tpu.memref_slice %arg11[%dma_wait3A_167] : memref<1048576xf32, #tpu.memory_space<vmem_shared>> -> memref<1048576xf32, #tpu.memory_space<vmem_shared>>
    tpu.wait_indirect_dma semaphore(%arg15 : memref<!tpu.dma_semaphore, #tpu.memory_space<semaphore_mem>>) src(%dma_wait3A_168 : memref<1048576xf32, #tpu.memory_space<vmem_shared>>) dst(%arg10 : memref<8192xf32, #tpu.memory_space<vmem>>)
    %add3A_169 = arith.constant 57344 : i32
    %add3A_170 = arith.addi %mul3A_2, %add3A_169 : i32
    %dma_start3A_171 = tpu.memref_slice %arg4[%add3A_170] : memref<4194304xf32, #tpu.memory_space<hbm>> -> memref<8192xf32, #tpu.memory_space<hbm>>
    %dma_start3A_172 = tpu.memref_slice %arg4[%add3A_170] : memref<4194304xf32, #tpu.memory_space<hbm>> -> memref<8192xf32, #tpu.memory_space<hbm>>
    tpu.enqueue_dma source(%arg10 : memref<8192xf32, #tpu.memory_space<vmem>>) target(%dma_start3A_172 : memref<8192xf32, #tpu.memory_space<hbm>>) target_semaphore(%arg17 : memref<!tpu.dma_semaphore, #tpu.memory_space<semaphore_mem>>)
    %dma_wait3A_173 = tpu.memref_slice %arg3[%add3A_164] : memref<4194304xf32, #tpu.memory_space<hbm>> -> memref<8192xf32, #tpu.memory_space<hbm>>
    %dma_wait3A_174 = tpu.memref_slice %arg3[%add3A_164] : memref<4194304xf32, #tpu.memory_space<hbm>> -> memref<8192xf32, #tpu.memory_space<hbm>>
    tpu.wait_dma2 semaphore(%arg13 : memref<!tpu.dma_semaphore, #tpu.memory_space<semaphore_mem>>) src(%dma_wait3A_174 : memref<8192xf32, #tpu.memory_space<hbm>>) dst(%arg6 : memref<8192xf32, #tpu.memory_space<vmem>>)
    %parallel_loop3A_175 = arith.constant 0 : i32
    %parallel_loop3A_176 = arith.constant 8192 : i32
    %parallel_loop3A_177 = arith.constant 16 : i32
    scf.for %parallel_loop3A_312 = %parallel_loop3A_175 to %parallel_loop3A_176 step %parallel_loop3A_177  : i32 {
      %parallel_loop3A_313 = arith.index_cast %parallel_loop3A_312 : i32 to index
      %parallel_loop3A_314 = tpu.vector_load %arg6[%parallel_loop3A_313] {strides = array<i32>} : memref<8192xf32, #tpu.memory_space<vmem>>, vector<16xf32>,
      %parallel_loop3A_315 = vector.shape_cast %parallel_loop3A_314 : vector<16xf32> to vector<16xf32>
      %parallel_loop3A_316 = arith.fptosi %parallel_loop3A_315 : vector<16xf32> to vector<16xi32>
      %parallel_loop3A_317 = arith.index_cast %parallel_loop3A_312 : i32 to index
      %parallel_loop3A_318 = tpu.vector_load %arg8[%parallel_loop3A_317] {strides = array<i32>} : memref<8192xi32, #tpu.memory_space<vmem>>, vector<16xi32>,
      %parallel_loop3A_319 = vector.shape_cast %parallel_loop3A_318 : vector<16xi32> to vector<16xi32>
      %parallel_loop3A_320 = vector.shape_cast %parallel_loop3A_316 : vector<16xi32> to vector<16xi32>
      tpu.vector_store %arg8[%parallel_loop3A_317], %parallel_loop3A_320 {strides = array<i32>} : memref<8192xi32, #tpu.memory_space<vmem>>, vector<16xi32>,
    } {sc.loop_unroll_factor = 8 : i64, sc.parallel_access}
    %dma_wait3A_178 = tpu.memref_slice %arg4[%add3A_170] : memref<4194304xf32, #tpu.memory_space<hbm>> -> memref<8192xf32, #tpu.memory_space<hbm>>
    %dma_wait3A_179 = tpu.memref_slice %arg4[%add3A_170] : memref<4194304xf32, #tpu.memory_space<hbm>> -> memref<8192xf32, #tpu.memory_space<hbm>>
    tpu.wait_dma2 semaphore(%arg17 : memref<!tpu.dma_semaphore, #tpu.memory_space<semaphore_mem>>) src(%arg10 : memref<8192xf32, #tpu.memory_space<vmem>>) dst(%dma_wait3A_179 : memref<8192xf32, #tpu.memory_space<hbm>>)
    %dma_start3A_180 = arith.constant 0 : i32
    %dma_start3A_181 = tpu.memref_slice %arg11[%dma_start3A_180] : memref<1048576xf32, #tpu.memory_space<vmem_shared>> -> memref<1048576xf32, #tpu.memory_space<vmem_shared>>
    tpu.enqueue_indirect_dma source(%dma_start3A_181 : memref<1048576xf32, #tpu.memory_space<vmem_shared>>) target(%arg10 : memref<8192xf32, #tpu.memory_space<vmem>>) offsets(%arg8 : memref<8192xi32, #tpu.memory_space<vmem>>) semaphore(%arg15 : memref<!tpu.dma_semaphore, #tpu.memory_space<semaphore_mem>>)
    %add3A_182 = arith.constant 81920 : i32
    %add3A_183 = arith.addi %mul3A_2, %add3A_182 : i32
    %dma_start3A_184 = tpu.memref_slice %arg3[%add3A_183] : memref<4194304xf32, #tpu.memory_space<hbm>> -> memref<8192xf32, #tpu.memory_space<hbm>>
    %dma_start3A_185 = tpu.memref_slice %arg3[%add3A_183] : memref<4194304xf32, #tpu.memory_space<hbm>> -> memref<8192xf32, #tpu.memory_space<hbm>>
    tpu.enqueue_dma source(%dma_start3A_185 : memref<8192xf32, #tpu.memory_space<hbm>>) target(%arg5 : memref<8192xf32, #tpu.memory_space<vmem>>) target_semaphore(%arg12 : memref<!tpu.dma_semaphore, #tpu.memory_space<semaphore_mem>>)
    %dma_wait3A_186 = arith.constant 0 : i32
    %dma_wait3A_187 = tpu.memref_slice %arg11[%dma_wait3A_186] : memref<1048576xf32, #tpu.memory_space<vmem_shared>> -> memref<1048576xf32, #tpu.memory_space<vmem_shared>>
    tpu.wait_indirect_dma semaphore(%arg14 : memref<!tpu.dma_semaphore, #tpu.memory_space<semaphore_mem>>) src(%dma_wait3A_187 : memref<1048576xf32, #tpu.memory_space<vmem_shared>>) dst(%arg9 : memref<8192xf32, #tpu.memory_space<vmem>>)
    %add3A_188 = arith.constant 65536 : i32
    %add3A_189 = arith.addi %mul3A_2, %add3A_188 : i32
    %dma_start3A_190 = tpu.memref_slice %arg4[%add3A_189] : memref<4194304xf32, #tpu.memory_space<hbm>> -> memref<8192xf32, #tpu.memory_space<hbm>>
    %dma_start3A_191 = tpu.memref_slice %arg4[%add3A_189] : memref<4194304xf32, #tpu.memory_space<hbm>> -> memref<8192xf32, #tpu.memory_space<hbm>>
    tpu.enqueue_dma source(%arg9 : memref<8192xf32, #tpu.memory_space<vmem>>) target(%dma_start3A_191 : memref<8192xf32, #tpu.memory_space<hbm>>) target_semaphore(%arg16 : memref<!tpu.dma_semaphore, #tpu.memory_space<semaphore_mem>>)
    %dma_wait3A_192 = tpu.memref_slice %arg3[%add3A_183] : memref<4194304xf32, #tpu.memory_space<hbm>> -> memref<8192xf32, #tpu.memory_space<hbm>>
    %dma_wait3A_193 = tpu.memref_slice %arg3[%add3A_183] : memref<4194304xf32, #tpu.memory_space<hbm>> -> memref<8192xf32, #tpu.memory_space<hbm>>
    tpu.wait_dma2 semaphore(%arg12 : memref<!tpu.dma_semaphore, #tpu.memory_space<semaphore_mem>>) src(%dma_wait3A_193 : memref<8192xf32, #tpu.memory_space<hbm>>) dst(%arg5 : memref<8192xf32, #tpu.memory_space<vmem>>)
    %parallel_loop3A_194 = arith.constant 0 : i32
    %parallel_loop3A_195 = arith.constant 8192 : i32
    %parallel_loop3A_196 = arith.constant 16 : i32
    scf.for %parallel_loop3A_312 = %parallel_loop3A_194 to %parallel_loop3A_195 step %parallel_loop3A_196  : i32 {
      %parallel_loop3A_313 = arith.index_cast %parallel_loop3A_312 : i32 to index
      %parallel_loop3A_314 = tpu.vector_load %arg5[%parallel_loop3A_313] {strides = array<i32>} : memref<8192xf32, #tpu.memory_space<vmem>>, vector<16xf32>,
      %parallel_loop3A_315 = vector.shape_cast %parallel_loop3A_314 : vector<16xf32> to vector<16xf32>
      %parallel_loop3A_316 = arith.fptosi %parallel_loop3A_315 : vector<16xf32> to vector<16xi32>
      %parallel_loop3A_317 = arith.index_cast %parallel_loop3A_312 : i32 to index
      %parallel_loop3A_318 = tpu.vector_load %arg7[%parallel_loop3A_317] {strides = array<i32>} : memref<8192xi32, #tpu.memory_space<vmem>>, vector<16xi32>,
      %parallel_loop3A_319 = vector.shape_cast %parallel_loop3A_318 : vector<16xi32> to vector<16xi32>
      %parallel_loop3A_320 = vector.shape_cast %parallel_loop3A_316 : vector<16xi32> to vector<16xi32>
      tpu.vector_store %arg7[%parallel_loop3A_317], %parallel_loop3A_320 {strides = array<i32>} : memref<8192xi32, #tpu.memory_space<vmem>>, vector<16xi32>,
    } {sc.loop_unroll_factor = 8 : i64, sc.parallel_access}
    %dma_wait3A_197 = tpu.memref_slice %arg4[%add3A_189] : memref<4194304xf32, #tpu.memory_space<hbm>> -> memref<8192xf32, #tpu.memory_space<hbm>>
    %dma_wait3A_198 = tpu.memref_slice %arg4[%add3A_189] : memref<4194304xf32, #tpu.memory_space<hbm>> -> memref<8192xf32, #tpu.memory_space<hbm>>
    tpu.wait_dma2 semaphore(%arg16 : memref<!tpu.dma_semaphore, #tpu.memory_space<semaphore_mem>>) src(%arg9 : memref<8192xf32, #tpu.memory_space<vmem>>) dst(%dma_wait3A_198 : memref<8192xf32, #tpu.memory_space<hbm>>)
    %dma_start3A_199 = arith.constant 0 : i32
    %dma_start3A_200 = tpu.memref_slice %arg11[%dma_start3A_199] : memref<1048576xf32, #tpu.memory_space<vmem_shared>> -> memref<1048576xf32, #tpu.memory_space<vmem_shared>>
    tpu.enqueue_indirect_dma source(%dma_start3A_200 : memref<1048576xf32, #tpu.memory_space<vmem_shared>>) target(%arg9 : memref<8192xf32, #tpu.memory_space<vmem>>) offsets(%arg7 : memref<8192xi32, #tpu.memory_space<vmem>>) semaphore(%arg14 : memref<!tpu.dma_semaphore, #tpu.memory_space<semaphore_mem>>)
    %add3A_201 = arith.constant 90112 : i32
    %add3A_202 = arith.addi %mul3A_2, %add3A_201 : i32
    %dma_start3A_203 = tpu.memref_slice %arg3[%add3A_202] : memref<4194304xf32, #tpu.memory_space<hbm>> -> memref<8192xf32, #tpu.memory_space<hbm>>
    %dma_start3A_204 = tpu.memref_slice %arg3[%add3A_202] : memref<4194304xf32, #tpu.memory_space<hbm>> -> memref<8192xf32, #tpu.memory_space<hbm>>
    tpu.enqueue_dma source(%dma_start3A_204 : memref<8192xf32, #tpu.memory_space<hbm>>) target(%arg6 : memref<8192xf32, #tpu.memory_space<vmem>>) target_semaphore(%arg13 : memref<!tpu.dma_semaphore, #tpu.memory_space<semaphore_mem>>)
    %dma_wait3A_205 = arith.constant 0 : i32
    %dma_wait3A_206 = tpu.memref_slice %arg11[%dma_wait3A_205] : memref<1048576xf32, #tpu.memory_space<vmem_shared>> -> memref<1048576xf32, #tpu.memory_space<vmem_shared>>
    tpu.wait_indirect_dma semaphore(%arg15 : memref<!tpu.dma_semaphore, #tpu.memory_space<semaphore_mem>>) src(%dma_wait3A_206 : memref<1048576xf32, #tpu.memory_space<vmem_shared>>) dst(%arg10 : memref<8192xf32, #tpu.memory_space<vmem>>)
    %add3A_207 = arith.constant 73728 : i32
    %add3A_208 = arith.addi %mul3A_2, %add3A_207 : i32
    %dma_start3A_209 = tpu.memref_slice %arg4[%add3A_208] : memref<4194304xf32, #tpu.memory_space<hbm>> -> memref<8192xf32, #tpu.memory_space<hbm>>
    %dma_start3A_210 = tpu.memref_slice %arg4[%add3A_208] : memref<4194304xf32, #tpu.memory_space<hbm>> -> memref<8192xf32, #tpu.memory_space<hbm>>
    tpu.enqueue_dma source(%arg10 : memref<8192xf32, #tpu.memory_space<vmem>>) target(%dma_start3A_210 : memref<8192xf32, #tpu.memory_space<hbm>>) target_semaphore(%arg17 : memref<!tpu.dma_semaphore, #tpu.memory_space<semaphore_mem>>)
    %dma_wait3A_211 = tpu.memref_slice %arg3[%add3A_202] : memref<4194304xf32, #tpu.memory_space<hbm>> -> memref<8192xf32, #tpu.memory_space<hbm>>
    %dma_wait3A_212 = tpu.memref_slice %arg3[%add3A_202] : memref<4194304xf32, #tpu.memory_space<hbm>> -> memref<8192xf32, #tpu.memory_space<hbm>>
    tpu.wait_dma2 semaphore(%arg13 : memref<!tpu.dma_semaphore, #tpu.memory_space<semaphore_mem>>) src(%dma_wait3A_212 : memref<8192xf32, #tpu.memory_space<hbm>>) dst(%arg6 : memref<8192xf32, #tpu.memory_space<vmem>>)
    %parallel_loop3A_213 = arith.constant 0 : i32
    %parallel_loop3A_214 = arith.constant 8192 : i32
    %parallel_loop3A_215 = arith.constant 16 : i32
    scf.for %parallel_loop3A_312 = %parallel_loop3A_213 to %parallel_loop3A_214 step %parallel_loop3A_215  : i32 {
      %parallel_loop3A_313 = arith.index_cast %parallel_loop3A_312 : i32 to index
      %parallel_loop3A_314 = tpu.vector_load %arg6[%parallel_loop3A_313] {strides = array<i32>} : memref<8192xf32, #tpu.memory_space<vmem>>, vector<16xf32>,
      %parallel_loop3A_315 = vector.shape_cast %parallel_loop3A_314 : vector<16xf32> to vector<16xf32>
      %parallel_loop3A_316 = arith.fptosi %parallel_loop3A_315 : vector<16xf32> to vector<16xi32>
      %parallel_loop3A_317 = arith.index_cast %parallel_loop3A_312 : i32 to index
      %parallel_loop3A_318 = tpu.vector_load %arg8[%parallel_loop3A_317] {strides = array<i32>} : memref<8192xi32, #tpu.memory_space<vmem>>, vector<16xi32>,
      %parallel_loop3A_319 = vector.shape_cast %parallel_loop3A_318 : vector<16xi32> to vector<16xi32>
      %parallel_loop3A_320 = vector.shape_cast %parallel_loop3A_316 : vector<16xi32> to vector<16xi32>
      tpu.vector_store %arg8[%parallel_loop3A_317], %parallel_loop3A_320 {strides = array<i32>} : memref<8192xi32, #tpu.memory_space<vmem>>, vector<16xi32>,
    } {sc.loop_unroll_factor = 8 : i64, sc.parallel_access}
    %dma_wait3A_216 = tpu.memref_slice %arg4[%add3A_208] : memref<4194304xf32, #tpu.memory_space<hbm>> -> memref<8192xf32, #tpu.memory_space<hbm>>
    %dma_wait3A_217 = tpu.memref_slice %arg4[%add3A_208] : memref<4194304xf32, #tpu.memory_space<hbm>> -> memref<8192xf32, #tpu.memory_space<hbm>>
    tpu.wait_dma2 semaphore(%arg17 : memref<!tpu.dma_semaphore, #tpu.memory_space<semaphore_mem>>) src(%arg10 : memref<8192xf32, #tpu.memory_space<vmem>>) dst(%dma_wait3A_217 : memref<8192xf32, #tpu.memory_space<hbm>>)
    %dma_start3A_218 = arith.constant 0 : i32
    %dma_start3A_219 = tpu.memref_slice %arg11[%dma_start3A_218] : memref<1048576xf32, #tpu.memory_space<vmem_shared>> -> memref<1048576xf32, #tpu.memory_space<vmem_shared>>
    tpu.enqueue_indirect_dma source(%dma_start3A_219 : memref<1048576xf32, #tpu.memory_space<vmem_shared>>) target(%arg10 : memref<8192xf32, #tpu.memory_space<vmem>>) offsets(%arg8 : memref<8192xi32, #tpu.memory_space<vmem>>) semaphore(%arg15 : memref<!tpu.dma_semaphore, #tpu.memory_space<semaphore_mem>>)
    %add3A_220 = arith.constant 98304 : i32
    %add3A_221 = arith.addi %mul3A_2, %add3A_220 : i32
    %dma_start3A_222 = tpu.memref_slice %arg3[%add3A_221] : memref<4194304xf32, #tpu.memory_space<hbm>> -> memref<8192xf32, #tpu.memory_space<hbm>>
    %dma_start3A_223 = tpu.memref_slice %arg3[%add3A_221] : memref<4194304xf32, #tpu.memory_space<hbm>> -> memref<8192xf32, #tpu.memory_space<hbm>>
    tpu.enqueue_dma source(%dma_start3A_223 : memref<8192xf32, #tpu.memory_space<hbm>>) target(%arg5 : memref<8192xf32, #tpu.memory_space<vmem>>) target_semaphore(%arg12 : memref<!tpu.dma_semaphore, #tpu.memory_space<semaphore_mem>>)
    %dma_wait3A_224 = arith.constant 0 : i32
    %dma_wait3A_225 = tpu.memref_slice %arg11[%dma_wait3A_224] : memref<1048576xf32, #tpu.memory_space<vmem_shared>> -> memref<1048576xf32, #tpu.memory_space<vmem_shared>>
    tpu.wait_indirect_dma semaphore(%arg14 : memref<!tpu.dma_semaphore, #tpu.memory_space<semaphore_mem>>) src(%dma_wait3A_225 : memref<1048576xf32, #tpu.memory_space<vmem_shared>>) dst(%arg9 : memref<8192xf32, #tpu.memory_space<vmem>>)
    %add3A_226 = arith.constant 81920 : i32
    %add3A_227 = arith.addi %mul3A_2, %add3A_226 : i32
    %dma_start3A_228 = tpu.memref_slice %arg4[%add3A_227] : memref<4194304xf32, #tpu.memory_space<hbm>> -> memref<8192xf32, #tpu.memory_space<hbm>>
    %dma_start3A_229 = tpu.memref_slice %arg4[%add3A_227] : memref<4194304xf32, #tpu.memory_space<hbm>> -> memref<8192xf32, #tpu.memory_space<hbm>>
    tpu.enqueue_dma source(%arg9 : memref<8192xf32, #tpu.memory_space<vmem>>) target(%dma_start3A_229 : memref<8192xf32, #tpu.memory_space<hbm>>) target_semaphore(%arg16 : memref<!tpu.dma_semaphore, #tpu.memory_space<semaphore_mem>>)
    %dma_wait3A_230 = tpu.memref_slice %arg3[%add3A_221] : memref<4194304xf32, #tpu.memory_space<hbm>> -> memref<8192xf32, #tpu.memory_space<hbm>>
    %dma_wait3A_231 = tpu.memref_slice %arg3[%add3A_221] : memref<4194304xf32, #tpu.memory_space<hbm>> -> memref<8192xf32, #tpu.memory_space<hbm>>
    tpu.wait_dma2 semaphore(%arg12 : memref<!tpu.dma_semaphore, #tpu.memory_space<semaphore_mem>>) src(%dma_wait3A_231 : memref<8192xf32, #tpu.memory_space<hbm>>) dst(%arg5 : memref<8192xf32, #tpu.memory_space<vmem>>)
    %parallel_loop3A_232 = arith.constant 0 : i32
    %parallel_loop3A_233 = arith.constant 8192 : i32
    %parallel_loop3A_234 = arith.constant 16 : i32
    scf.for %parallel_loop3A_312 = %parallel_loop3A_232 to %parallel_loop3A_233 step %parallel_loop3A_234  : i32 {
      %parallel_loop3A_313 = arith.index_cast %parallel_loop3A_312 : i32 to index
      %parallel_loop3A_314 = tpu.vector_load %arg5[%parallel_loop3A_313] {strides = array<i32>} : memref<8192xf32, #tpu.memory_space<vmem>>, vector<16xf32>,
      %parallel_loop3A_315 = vector.shape_cast %parallel_loop3A_314 : vector<16xf32> to vector<16xf32>
      %parallel_loop3A_316 = arith.fptosi %parallel_loop3A_315 : vector<16xf32> to vector<16xi32>
      %parallel_loop3A_317 = arith.index_cast %parallel_loop3A_312 : i32 to index
      %parallel_loop3A_318 = tpu.vector_load %arg7[%parallel_loop3A_317] {strides = array<i32>} : memref<8192xi32, #tpu.memory_space<vmem>>, vector<16xi32>,
      %parallel_loop3A_319 = vector.shape_cast %parallel_loop3A_318 : vector<16xi32> to vector<16xi32>
      %parallel_loop3A_320 = vector.shape_cast %parallel_loop3A_316 : vector<16xi32> to vector<16xi32>
      tpu.vector_store %arg7[%parallel_loop3A_317], %parallel_loop3A_320 {strides = array<i32>} : memref<8192xi32, #tpu.memory_space<vmem>>, vector<16xi32>,
    } {sc.loop_unroll_factor = 8 : i64, sc.parallel_access}
    %dma_wait3A_235 = tpu.memref_slice %arg4[%add3A_227] : memref<4194304xf32, #tpu.memory_space<hbm>> -> memref<8192xf32, #tpu.memory_space<hbm>>
    %dma_wait3A_236 = tpu.memref_slice %arg4[%add3A_227] : memref<4194304xf32, #tpu.memory_space<hbm>> -> memref<8192xf32, #tpu.memory_space<hbm>>
    tpu.wait_dma2 semaphore(%arg16 : memref<!tpu.dma_semaphore, #tpu.memory_space<semaphore_mem>>) src(%arg9 : memref<8192xf32, #tpu.memory_space<vmem>>) dst(%dma_wait3A_236 : memref<8192xf32, #tpu.memory_space<hbm>>)
    %dma_start3A_237 = arith.constant 0 : i32
    %dma_start3A_238 = tpu.memref_slice %arg11[%dma_start3A_237] : memref<1048576xf32, #tpu.memory_space<vmem_shared>> -> memref<1048576xf32, #tpu.memory_space<vmem_shared>>
    tpu.enqueue_indirect_dma source(%dma_start3A_238 : memref<1048576xf32, #tpu.memory_space<vmem_shared>>) target(%arg9 : memref<8192xf32, #tpu.memory_space<vmem>>) offsets(%arg7 : memref<8192xi32, #tpu.memory_space<vmem>>) semaphore(%arg14 : memref<!tpu.dma_semaphore, #tpu.memory_space<semaphore_mem>>)
    %add3A_239 = arith.constant 106496 : i32
    %add3A_240 = arith.addi %mul3A_2, %add3A_239 : i32
    %dma_start3A_241 = tpu.memref_slice %arg3[%add3A_240] : memref<4194304xf32, #tpu.memory_space<hbm>> -> memref<8192xf32, #tpu.memory_space<hbm>>
    %dma_start3A_242 = tpu.memref_slice %arg3[%add3A_240] : memref<4194304xf32, #tpu.memory_space<hbm>> -> memref<8192xf32, #tpu.memory_space<hbm>>
    tpu.enqueue_dma source(%dma_start3A_242 : memref<8192xf32, #tpu.memory_space<hbm>>) target(%arg6 : memref<8192xf32, #tpu.memory_space<vmem>>) target_semaphore(%arg13 : memref<!tpu.dma_semaphore, #tpu.memory_space<semaphore_mem>>)
    %dma_wait3A_243 = arith.constant 0 : i32
    %dma_wait3A_244 = tpu.memref_slice %arg11[%dma_wait3A_243] : memref<1048576xf32, #tpu.memory_space<vmem_shared>> -> memref<1048576xf32, #tpu.memory_space<vmem_shared>>
    tpu.wait_indirect_dma semaphore(%arg15 : memref<!tpu.dma_semaphore, #tpu.memory_space<semaphore_mem>>) src(%dma_wait3A_244 : memref<1048576xf32, #tpu.memory_space<vmem_shared>>) dst(%arg10 : memref<8192xf32, #tpu.memory_space<vmem>>)
    %add3A_245 = arith.constant 90112 : i32
    %add3A_246 = arith.addi %mul3A_2, %add3A_245 : i32
    %dma_start3A_247 = tpu.memref_slice %arg4[%add3A_246] : memref<4194304xf32, #tpu.memory_space<hbm>> -> memref<8192xf32, #tpu.memory_space<hbm>>
    %dma_start3A_248 = tpu.memref_slice %arg4[%add3A_246] : memref<4194304xf32, #tpu.memory_space<hbm>> -> memref<8192xf32, #tpu.memory_space<hbm>>
    tpu.enqueue_dma source(%arg10 : memref<8192xf32, #tpu.memory_space<vmem>>) target(%dma_start3A_248 : memref<8192xf32, #tpu.memory_space<hbm>>) target_semaphore(%arg17 : memref<!tpu.dma_semaphore, #tpu.memory_space<semaphore_mem>>)
    %dma_wait3A_249 = tpu.memref_slice %arg3[%add3A_240] : memref<4194304xf32, #tpu.memory_space<hbm>> -> memref<8192xf32, #tpu.memory_space<hbm>>
    %dma_wait3A_250 = tpu.memref_slice %arg3[%add3A_240] : memref<4194304xf32, #tpu.memory_space<hbm>> -> memref<8192xf32, #tpu.memory_space<hbm>>
    tpu.wait_dma2 semaphore(%arg13 : memref<!tpu.dma_semaphore, #tpu.memory_space<semaphore_mem>>) src(%dma_wait3A_250 : memref<8192xf32, #tpu.memory_space<hbm>>) dst(%arg6 : memref<8192xf32, #tpu.memory_space<vmem>>)
    %parallel_loop3A_251 = arith.constant 0 : i32
    %parallel_loop3A_252 = arith.constant 8192 : i32
    %parallel_loop3A_253 = arith.constant 16 : i32
    scf.for %parallel_loop3A_312 = %parallel_loop3A_251 to %parallel_loop3A_252 step %parallel_loop3A_253  : i32 {
      %parallel_loop3A_313 = arith.index_cast %parallel_loop3A_312 : i32 to index
      %parallel_loop3A_314 = tpu.vector_load %arg6[%parallel_loop3A_313] {strides = array<i32>} : memref<8192xf32, #tpu.memory_space<vmem>>, vector<16xf32>,
      %parallel_loop3A_315 = vector.shape_cast %parallel_loop3A_314 : vector<16xf32> to vector<16xf32>
      %parallel_loop3A_316 = arith.fptosi %parallel_loop3A_315 : vector<16xf32> to vector<16xi32>
      %parallel_loop3A_317 = arith.index_cast %parallel_loop3A_312 : i32 to index
      %parallel_loop3A_318 = tpu.vector_load %arg8[%parallel_loop3A_317] {strides = array<i32>} : memref<8192xi32, #tpu.memory_space<vmem>>, vector<16xi32>,
      %parallel_loop3A_319 = vector.shape_cast %parallel_loop3A_318 : vector<16xi32> to vector<16xi32>
      %parallel_loop3A_320 = vector.shape_cast %parallel_loop3A_316 : vector<16xi32> to vector<16xi32>
      tpu.vector_store %arg8[%parallel_loop3A_317], %parallel_loop3A_320 {strides = array<i32>} : memref<8192xi32, #tpu.memory_space<vmem>>, vector<16xi32>,
    } {sc.loop_unroll_factor = 8 : i64, sc.parallel_access}
    %dma_wait3A_254 = tpu.memref_slice %arg4[%add3A_246] : memref<4194304xf32, #tpu.memory_space<hbm>> -> memref<8192xf32, #tpu.memory_space<hbm>>
    %dma_wait3A_255 = tpu.memref_slice %arg4[%add3A_246] : memref<4194304xf32, #tpu.memory_space<hbm>> -> memref<8192xf32, #tpu.memory_space<hbm>>
    tpu.wait_dma2 semaphore(%arg17 : memref<!tpu.dma_semaphore, #tpu.memory_space<semaphore_mem>>) src(%arg10 : memref<8192xf32, #tpu.memory_space<vmem>>) dst(%dma_wait3A_255 : memref<8192xf32, #tpu.memory_space<hbm>>)
    %dma_start3A_256 = arith.constant 0 : i32
    %dma_start3A_257 = tpu.memref_slice %arg11[%dma_start3A_256] : memref<1048576xf32, #tpu.memory_space<vmem_shared>> -> memref<1048576xf32, #tpu.memory_space<vmem_shared>>
    tpu.enqueue_indirect_dma source(%dma_start3A_257 : memref<1048576xf32, #tpu.memory_space<vmem_shared>>) target(%arg10 : memref<8192xf32, #tpu.memory_space<vmem>>) offsets(%arg8 : memref<8192xi32, #tpu.memory_space<vmem>>) semaphore(%arg15 : memref<!tpu.dma_semaphore, #tpu.memory_space<semaphore_mem>>)
    %add3A_258 = arith.constant 114688 : i32
    %add3A_259 = arith.addi %mul3A_2, %add3A_258 : i32
    %dma_start3A_260 = tpu.memref_slice %arg3[%add3A_259] : memref<4194304xf32, #tpu.memory_space<hbm>> -> memref<8192xf32, #tpu.memory_space<hbm>>
    %dma_start3A_261 = tpu.memref_slice %arg3[%add3A_259] : memref<4194304xf32, #tpu.memory_space<hbm>> -> memref<8192xf32, #tpu.memory_space<hbm>>
    tpu.enqueue_dma source(%dma_start3A_261 : memref<8192xf32, #tpu.memory_space<hbm>>) target(%arg5 : memref<8192xf32, #tpu.memory_space<vmem>>) target_semaphore(%arg12 : memref<!tpu.dma_semaphore, #tpu.memory_space<semaphore_mem>>)
    %dma_wait3A_262 = arith.constant 0 : i32
    %dma_wait3A_263 = tpu.memref_slice %arg11[%dma_wait3A_262] : memref<1048576xf32, #tpu.memory_space<vmem_shared>> -> memref<1048576xf32, #tpu.memory_space<vmem_shared>>
    tpu.wait_indirect_dma semaphore(%arg14 : memref<!tpu.dma_semaphore, #tpu.memory_space<semaphore_mem>>) src(%dma_wait3A_263 : memref<1048576xf32, #tpu.memory_space<vmem_shared>>) dst(%arg9 : memref<8192xf32, #tpu.memory_space<vmem>>)
    %add3A_264 = arith.constant 98304 : i32
    %add3A_265 = arith.addi %mul3A_2, %add3A_264 : i32
    %dma_start3A_266 = tpu.memref_slice %arg4[%add3A_265] : memref<4194304xf32, #tpu.memory_space<hbm>> -> memref<8192xf32, #tpu.memory_space<hbm>>
    %dma_start3A_267 = tpu.memref_slice %arg4[%add3A_265] : memref<4194304xf32, #tpu.memory_space<hbm>> -> memref<8192xf32, #tpu.memory_space<hbm>>
    tpu.enqueue_dma source(%arg9 : memref<8192xf32, #tpu.memory_space<vmem>>) target(%dma_start3A_267 : memref<8192xf32, #tpu.memory_space<hbm>>) target_semaphore(%arg16 : memref<!tpu.dma_semaphore, #tpu.memory_space<semaphore_mem>>)
    %dma_wait3A_268 = tpu.memref_slice %arg3[%add3A_259] : memref<4194304xf32, #tpu.memory_space<hbm>> -> memref<8192xf32, #tpu.memory_space<hbm>>
    %dma_wait3A_269 = tpu.memref_slice %arg3[%add3A_259] : memref<4194304xf32, #tpu.memory_space<hbm>> -> memref<8192xf32, #tpu.memory_space<hbm>>
    tpu.wait_dma2 semaphore(%arg12 : memref<!tpu.dma_semaphore, #tpu.memory_space<semaphore_mem>>) src(%dma_wait3A_269 : memref<8192xf32, #tpu.memory_space<hbm>>) dst(%arg5 : memref<8192xf32, #tpu.memory_space<vmem>>)
    %parallel_loop3A_270 = arith.constant 0 : i32
    %parallel_loop3A_271 = arith.constant 8192 : i32
    %parallel_loop3A_272 = arith.constant 16 : i32
    scf.for %parallel_loop3A_312 = %parallel_loop3A_270 to %parallel_loop3A_271 step %parallel_loop3A_272  : i32 {
      %parallel_loop3A_313 = arith.index_cast %parallel_loop3A_312 : i32 to index
      %parallel_loop3A_314 = tpu.vector_load %arg5[%parallel_loop3A_313] {strides = array<i32>} : memref<8192xf32, #tpu.memory_space<vmem>>, vector<16xf32>,
      %parallel_loop3A_315 = vector.shape_cast %parallel_loop3A_314 : vector<16xf32> to vector<16xf32>
      %parallel_loop3A_316 = arith.fptosi %parallel_loop3A_315 : vector<16xf32> to vector<16xi32>
      %parallel_loop3A_317 = arith.index_cast %parallel_loop3A_312 : i32 to index
      %parallel_loop3A_318 = tpu.vector_load %arg7[%parallel_loop3A_317] {strides = array<i32>} : memref<8192xi32, #tpu.memory_space<vmem>>, vector<16xi32>,
      %parallel_loop3A_319 = vector.shape_cast %parallel_loop3A_318 : vector<16xi32> to vector<16xi32>
      %parallel_loop3A_320 = vector.shape_cast %parallel_loop3A_316 : vector<16xi32> to vector<16xi32>
      tpu.vector_store %arg7[%parallel_loop3A_317], %parallel_loop3A_320 {strides = array<i32>} : memref<8192xi32, #tpu.memory_space<vmem>>, vector<16xi32>,
    } {sc.loop_unroll_factor = 8 : i64, sc.parallel_access}
    %dma_wait3A_273 = tpu.memref_slice %arg4[%add3A_265] : memref<4194304xf32, #tpu.memory_space<hbm>> -> memref<8192xf32, #tpu.memory_space<hbm>>
    %dma_wait3A_274 = tpu.memref_slice %arg4[%add3A_265] : memref<4194304xf32, #tpu.memory_space<hbm>> -> memref<8192xf32, #tpu.memory_space<hbm>>
    tpu.wait_dma2 semaphore(%arg16 : memref<!tpu.dma_semaphore, #tpu.memory_space<semaphore_mem>>) src(%arg9 : memref<8192xf32, #tpu.memory_space<vmem>>) dst(%dma_wait3A_274 : memref<8192xf32, #tpu.memory_space<hbm>>)
    %dma_start3A_275 = arith.constant 0 : i32
    %dma_start3A_276 = tpu.memref_slice %arg11[%dma_start3A_275] : memref<1048576xf32, #tpu.memory_space<vmem_shared>> -> memref<1048576xf32, #tpu.memory_space<vmem_shared>>
    tpu.enqueue_indirect_dma source(%dma_start3A_276 : memref<1048576xf32, #tpu.memory_space<vmem_shared>>) target(%arg9 : memref<8192xf32, #tpu.memory_space<vmem>>) offsets(%arg7 : memref<8192xi32, #tpu.memory_space<vmem>>) semaphore(%arg14 : memref<!tpu.dma_semaphore, #tpu.memory_space<semaphore_mem>>)
    %add3A_277 = arith.constant 122880 : i32
    %add3A_278 = arith.addi %mul3A_2, %add3A_277 : i32
    %dma_start3A_279 = tpu.memref_slice %arg3[%add3A_278] : memref<4194304xf32, #tpu.memory_space<hbm>> -> memref<8192xf32, #tpu.memory_space<hbm>>
    %dma_start3A_280 = tpu.memref_slice %arg3[%add3A_278] : memref<4194304xf32, #tpu.memory_space<hbm>> -> memref<8192xf32, #tpu.memory_space<hbm>>
    tpu.enqueue_dma source(%dma_start3A_280 : memref<8192xf32, #tpu.memory_space<hbm>>) target(%arg6 : memref<8192xf32, #tpu.memory_space<vmem>>) target_semaphore(%arg13 : memref<!tpu.dma_semaphore, #tpu.memory_space<semaphore_mem>>)
    %dma_wait3A_281 = arith.constant 0 : i32
    %dma_wait3A_282 = tpu.memref_slice %arg11[%dma_wait3A_281] : memref<1048576xf32, #tpu.memory_space<vmem_shared>> -> memref<1048576xf32, #tpu.memory_space<vmem_shared>>
    tpu.wait_indirect_dma semaphore(%arg15 : memref<!tpu.dma_semaphore, #tpu.memory_space<semaphore_mem>>) src(%dma_wait3A_282 : memref<1048576xf32, #tpu.memory_space<vmem_shared>>) dst(%arg10 : memref<8192xf32, #tpu.memory_space<vmem>>)
    %add3A_283 = arith.constant 106496 : i32
    %add3A_284 = arith.addi %mul3A_2, %add3A_283 : i32
    %dma_start3A_285 = tpu.memref_slice %arg4[%add3A_284] : memref<4194304xf32, #tpu.memory_space<hbm>> -> memref<8192xf32, #tpu.memory_space<hbm>>
    %dma_start3A_286 = tpu.memref_slice %arg4[%add3A_284] : memref<4194304xf32, #tpu.memory_space<hbm>> -> memref<8192xf32, #tpu.memory_space<hbm>>
    tpu.enqueue_dma source(%arg10 : memref<8192xf32, #tpu.memory_space<vmem>>) target(%dma_start3A_286 : memref<8192xf32, #tpu.memory_space<hbm>>) target_semaphore(%arg17 : memref<!tpu.dma_semaphore, #tpu.memory_space<semaphore_mem>>)
    %dma_wait3A_287 = tpu.memref_slice %arg3[%add3A_278] : memref<4194304xf32, #tpu.memory_space<hbm>> -> memref<8192xf32, #tpu.memory_space<hbm>>
    %dma_wait3A_288 = tpu.memref_slice %arg3[%add3A_278] : memref<4194304xf32, #tpu.memory_space<hbm>> -> memref<8192xf32, #tpu.memory_space<hbm>>
    tpu.wait_dma2 semaphore(%arg13 : memref<!tpu.dma_semaphore, #tpu.memory_space<semaphore_mem>>) src(%dma_wait3A_288 : memref<8192xf32, #tpu.memory_space<hbm>>) dst(%arg6 : memref<8192xf32, #tpu.memory_space<vmem>>)
    %parallel_loop3A_289 = arith.constant 0 : i32
    %parallel_loop3A_290 = arith.constant 8192 : i32
    %parallel_loop3A_291 = arith.constant 16 : i32
    scf.for %parallel_loop3A_312 = %parallel_loop3A_289 to %parallel_loop3A_290 step %parallel_loop3A_291  : i32 {
      %parallel_loop3A_313 = arith.index_cast %parallel_loop3A_312 : i32 to index
      %parallel_loop3A_314 = tpu.vector_load %arg6[%parallel_loop3A_313] {strides = array<i32>} : memref<8192xf32, #tpu.memory_space<vmem>>, vector<16xf32>,
      %parallel_loop3A_315 = vector.shape_cast %parallel_loop3A_314 : vector<16xf32> to vector<16xf32>
      %parallel_loop3A_316 = arith.fptosi %parallel_loop3A_315 : vector<16xf32> to vector<16xi32>
      %parallel_loop3A_317 = arith.index_cast %parallel_loop3A_312 : i32 to index
      %parallel_loop3A_318 = tpu.vector_load %arg8[%parallel_loop3A_317] {strides = array<i32>} : memref<8192xi32, #tpu.memory_space<vmem>>, vector<16xi32>,
      %parallel_loop3A_319 = vector.shape_cast %parallel_loop3A_318 : vector<16xi32> to vector<16xi32>
      %parallel_loop3A_320 = vector.shape_cast %parallel_loop3A_316 : vector<16xi32> to vector<16xi32>
      tpu.vector_store %arg8[%parallel_loop3A_317], %parallel_loop3A_320 {strides = array<i32>} : memref<8192xi32, #tpu.memory_space<vmem>>, vector<16xi32>,
    } {sc.loop_unroll_factor = 8 : i64, sc.parallel_access}
    %dma_wait3A_292 = tpu.memref_slice %arg4[%add3A_284] : memref<4194304xf32, #tpu.memory_space<hbm>> -> memref<8192xf32, #tpu.memory_space<hbm>>
    %dma_wait3A_293 = tpu.memref_slice %arg4[%add3A_284] : memref<4194304xf32, #tpu.memory_space<hbm>> -> memref<8192xf32, #tpu.memory_space<hbm>>
    tpu.wait_dma2 semaphore(%arg17 : memref<!tpu.dma_semaphore, #tpu.memory_space<semaphore_mem>>) src(%arg10 : memref<8192xf32, #tpu.memory_space<vmem>>) dst(%dma_wait3A_293 : memref<8192xf32, #tpu.memory_space<hbm>>)
    %dma_start3A_294 = arith.constant 0 : i32
    %dma_start3A_295 = tpu.memref_slice %arg11[%dma_start3A_294] : memref<1048576xf32, #tpu.memory_space<vmem_shared>> -> memref<1048576xf32, #tpu.memory_space<vmem_shared>>
    tpu.enqueue_indirect_dma source(%dma_start3A_295 : memref<1048576xf32, #tpu.memory_space<vmem_shared>>) target(%arg10 : memref<8192xf32, #tpu.memory_space<vmem>>) offsets(%arg8 : memref<8192xi32, #tpu.memory_space<vmem>>) semaphore(%arg15 : memref<!tpu.dma_semaphore, #tpu.memory_space<semaphore_mem>>)
    %dma_wait3A_296 = arith.constant 0 : i32
    %dma_wait3A_297 = tpu.memref_slice %arg11[%dma_wait3A_296] : memref<1048576xf32, #tpu.memory_space<vmem_shared>> -> memref<1048576xf32, #tpu.memory_space<vmem_shared>>
    tpu.wait_indirect_dma semaphore(%arg14 : memref<!tpu.dma_semaphore, #tpu.memory_space<semaphore_mem>>) src(%dma_wait3A_297 : memref<1048576xf32, #tpu.memory_space<vmem_shared>>) dst(%arg9 : memref<8192xf32, #tpu.memory_space<vmem>>)
    %add3A_298 = arith.constant 114688 : i32
    %add3A_299 = arith.addi %mul3A_2, %add3A_298 : i32
    %dma_start3A_300 = tpu.memref_slice %arg4[%add3A_299] : memref<4194304xf32, #tpu.memory_space<hbm>> -> memref<8192xf32, #tpu.memory_space<hbm>>
    %dma_start3A_301 = tpu.memref_slice %arg4[%add3A_299] : memref<4194304xf32, #tpu.memory_space<hbm>> -> memref<8192xf32, #tpu.memory_space<hbm>>
    tpu.enqueue_dma source(%arg9 : memref<8192xf32, #tpu.memory_space<vmem>>) target(%dma_start3A_301 : memref<8192xf32, #tpu.memory_space<hbm>>) target_semaphore(%arg16 : memref<!tpu.dma_semaphore, #tpu.memory_space<semaphore_mem>>)
    %dma_wait3A_302 = arith.constant 0 : i32
    %dma_wait3A_303 = tpu.memref_slice %arg11[%dma_wait3A_302] : memref<1048576xf32, #tpu.memory_space<vmem_shared>> -> memref<1048576xf32, #tpu.memory_space<vmem_shared>>
    tpu.wait_indirect_dma semaphore(%arg15 : memref<!tpu.dma_semaphore, #tpu.memory_space<semaphore_mem>>) src(%dma_wait3A_303 : memref<1048576xf32, #tpu.memory_space<vmem_shared>>) dst(%arg10 : memref<8192xf32, #tpu.memory_space<vmem>>)
    %add3A_304 = arith.constant 122880 : i32
    %add3A_305 = arith.addi %mul3A_2, %add3A_304 : i32
    %dma_start3A_306 = tpu.memref_slice %arg4[%add3A_305] : memref<4194304xf32, #tpu.memory_space<hbm>> -> memref<8192xf32, #tpu.memory_space<hbm>>
    %dma_start3A_307 = tpu.memref_slice %arg4[%add3A_305] : memref<4194304xf32, #tpu.memory_space<hbm>> -> memref<8192xf32, #tpu.memory_space<hbm>>
    tpu.enqueue_dma source(%arg10 : memref<8192xf32, #tpu.memory_space<vmem>>) target(%dma_start3A_307 : memref<8192xf32, #tpu.memory_space<hbm>>) target_semaphore(%arg17 : memref<!tpu.dma_semaphore, #tpu.memory_space<semaphore_mem>>)
    %dma_wait3A_308 = tpu.memref_slice %arg4[%add3A_299] : memref<4194304xf32, #tpu.memory_space<hbm>> -> memref<8192xf32, #tpu.memory_space<hbm>>
    %dma_wait3A_309 = tpu.memref_slice %arg4[%add3A_299] : memref<4194304xf32, #tpu.memory_space<hbm>> -> memref<8192xf32, #tpu.memory_space<hbm>>
    tpu.wait_dma2 semaphore(%arg16 : memref<!tpu.dma_semaphore, #tpu.memory_space<semaphore_mem>>) src(%arg9 : memref<8192xf32, #tpu.memory_space<vmem>>) dst(%dma_wait3A_309 : memref<8192xf32, #tpu.memory_space<hbm>>)
    %dma_wait3A_310 = tpu.memref_slice %arg4[%add3A_305] : memref<4194304xf32, #tpu.memory_space<hbm>> -> memref<8192xf32, #tpu.memory_space<hbm>>
    %dma_wait3A_311 = tpu.memref_slice %arg4[%add3A_305] : memref<4194304xf32, #tpu.memory_space<hbm>> -> memref<8192xf32, #tpu.memory_space<hbm>>
    tpu.wait_dma2 semaphore(%arg17 : memref<!tpu.dma_semaphore, #tpu.memory_space<semaphore_mem>>) src(%arg10 : memref<8192xf32, #tpu.memory_space<vmem>>) dst(%dma_wait3A_311 : memref<8192xf32, #tpu.memory_space<hbm>>)
    return
  }
}

module attributes {stable_mosaic.version = 14 : i64} {
  func.func @_table_body(%arg0: memref<1xf32, #tpu.memory_space<smem>>, %arg1: memref<1000000xf32, #tpu.memory_space<vmem>>, %arg2: memref<1048576xf32, #tpu.memory_space<vmem>>) attributes {dimension_semantics = [], scalar_prefetch = 0 : i64, scratch_operands = 0 : i64, tpu.core_type = #tpu.core_type<tc>} {
    %get3A = arith.constant 0 : index
    %get3A_0 = memref.load %arg0[%get3A] : memref<1xf32, #tpu.memory_space<smem>>
    %get3A_1 = arith.constant 0 : index
    %get3A_2 = vector.load %arg1[%get3A_1] : memref<1000000xf32, #tpu.memory_space<vmem>>, vector<1000000xf32>
    %add3A = arith.constant 1.000000e+00 : f32
    %add3A_3 = vector.broadcast %add3A : f32 to vector<1000000xf32>
    %add3A_4 = arith.addf %get3A_2, %add3A_3 : vector<1000000xf32>
    %div3A = vector.broadcast %get3A_0 : f32 to vector<1000000xf32>
    %div3A_5 = arith.divf %div3A, %add3A_4 : vector<1000000xf32>
    %sqrt3A = math.sqrt %div3A_5 : vector<1000000xf32>
    %swap3A = arith.constant 0 : index
    %swap3A_6 = vector.load %arg2[%swap3A] : memref<1048576xf32, #tpu.memory_space<vmem>>, vector<1000000xf32>
    tpu.vector_store %arg2[%swap3A], %sqrt3A {strides = array<i32>} : memref<1048576xf32, #tpu.memory_space<vmem>>, vector<1000000xf32>,
    return
  }
}

</mosaic_0001>

<sc_bundles>
// kernel: kernel.4.cloned.1.call-start
scs
__scs_entry_jumppad:
0x0: {  	(pc) =	sbr.rel $0x88, $3  }
0x1: {  	(tag) =	ssettag $0x0;
	lr =	simm.s32 $0x1  }
0x2: {  	[smem:$0x3F9E] =	sst lr;
	_ =	strace $0xD0000000  }
0x3: {  	_ = 	snop  }
0x4: {  	_ = 	snop  }
0x5: {  	_ = 	snop  }
0x6: {  	_ = 	snop  }
0x7: {  	_ = 	snop  }
__scs_overlays_trampoline_lowered:
0x8: {  	[smem:$0x3FAD] =	sst s0  }
0x9: {  	[smem:$0x3FAE] =	sst s1  }
0xa: {  	[smem:$0x3FAF] =	sst s2  }
0xb: {  	[smem:$0x3FB0] =	sst s3  }
0xc: {  	[smem:$0x3FB1] =	sst s4  }
0xd: {  	[smem:$0x3FB2] =	sst s5  }
0xe: {  	[smem:$0x3FB3] =	sst s6  }
0xf: {  	[smem:$0x3FB4] =	sst s7  }
0x10: {  	[smem:$0x3FB5] =	sst s8  }
0x11: {  	[smem:$0x3FB6] =	sst s9;
	s0 =	simm.s32 @!p0 $0x0  }
0x12: {  	s1 =	sld [smem:$0x3F9C];
	s0 =	simm.s32 @p0 $0x1  }
0x13: {  	[smem:$0x3FB7] =	sst s0;
	s0 =	simm.s32 @!p1 $0x0  }
0x14: {  	s2 =	sld [smem:$0x3F9B];
	s0 =	simm.s32 @p1 $0x1  }
0x15: {  	[smem:$0x3FB8] =	sst s0;
	s0 =	simm.s32 @!p2 $0x0  }
0x16: {  	s3 =	sld [smem:$0x3FDB];
	s0 =	simm.s32 @p2 $0x1  }
0x17: {  	s4 =	simm.s32 $0x1BF5;
	[smem:$0x3FBA] =	sst s0  }
0x18: {  	s0 =	sld [smem:$0x3F9D];
	_ =	swait.ge [sflag:s4], $0x0  }
0x19: {  	s7 =	sld [smem:$0x3F9E]  }
0x1a: {  	s8 =	sadd.s32 $0xFFFFE003, lr  }
0x1b: {  	s9 =	sadd.s32 $0xFFFFFEF7, lr;
	s5 =	simm.s32 $0xFFFFFFFF;
	p2 =	slt.u32 s8, $0xFFFFF086  }
0x1c: {  	p1 =	slt.u32 s9, $0xF7A;
	s5 =	simm.s32 @!p2 $0x0  }
0x1d: {  	s5 =	simm.s32 @p1 $0x1;
	p0 =	seq.s32 s7, s2  }
0x1e: {  	s7 =	smul.u32 @!p0 $0xF7A, s2;
	p2 =	seq.s32 @!p0 s5, $0x0  }
0x1f: {  	s9 =	smul.u32 $0xF7A, s1;
	s8 =	simm.s32 @!p0 $0x1BF5;
	p2 =	por !p2, p0  }
0x20: {  	[sflag:s8] =	ssyncset.s32 @!p0 $0xFFFFF086;
	s6 =	sadd.s32 @!p0 s3, s7;
	s7 =	simm.s32 @!p0 $0x108  }
0x21: {  	s3 =	sadd.s32 s3, s9;
	s6 =	sadd.s32 @!p0 $0x88, s6;
	s7 =	simm.s32 @p2 $0x1082  }
0x22: {  	[simem:s7], [sflag:s8] =	dma.local @!p0 [hbm:s6], $0xF7A  }
0x23: {  	s9 =	sor.u32 $0xD0000000, s2;
	s6 =	simm.s32 $0x108;
	_ =	swait.ge @!p0 [sflag:s8], $0x0  }
0x24: {  	s3 =	sadd.s32 $0x88, s3;
	s6 =	simm.s32 @!p1 $0x1082;
	[sflag:s4] =	ssyncset.s32 $0xFFFFF086  }
0x25: {  	[simem:s6], [sflag:s4] =	dma.local [hbm:s3], $0xF7A  }
0x26: {  	[smem:$0x3F9E] =	sst s1;
	(tag) =	ssettag s2;
	_ =	strace s9  }
0x27: {  	s1 =	sld [smem:$0x3FAE]  }
0x28: {  	s2 =	sld [smem:$0x3FAF]  }
0x29: {  	s4 =	sld [smem:$0x3FB1]  }
0x2a: {  	p0 =	seq.s32 s5, $0x0;
	s5 =	sld [smem:$0x3FB2]  }
0x2b: {  	s6 =	sld [smem:$0x3FB3]  }
0x2c: {  	s7 =	sld [smem:$0x3FB4]  }
0x2d: {  	s3 =	simm.s32 $0x108;
	s8 =	sld [smem:$0x3FB5]  }
0x2e: {  	s3 =	simm.s32 @!p0 $0x1082;
	s9 =	sld [smem:$0x3FB6]  }
0x2f: {  	lr =	sadd.s32 s0, s3;
	s0 =	sld [smem:$0x3FAD]  }
0x30: {  	s3 =	sld [smem:$0x3FB0]  }
0x31: {  	[smem:$0x3FB9] =	sst s10  }
0x32: {  	s10 =	sld [smem:$0x3FB7];
	_ =	sdelay $0x3  }
0x33: {  	p0 =	seq.s32 s10, $0x1;
	s10 =	sld [smem:$0x3FB9];
	_ =	sdelay $0x3  }
0x34: {  	[smem:$0x3FB9] =	sst s10  }
0x35: {  	s10 =	sld [smem:$0x3FB8];
	_ =	sdelay $0x3  }
0x36: {  	p1 =	seq.s32 s10, $0x1;
	s10 =	sld [smem:$0x3FB9];
	_ =	sdelay $0x3  }
0x37: {  	[smem:$0x3FB9] =	sst s10  }
0x38: {  	s10 =	sld [smem:$0x3FBA]  }
0x39: {  	_ = 	snop;
	(pc) =	sbr.ind lr, $3  }
0x3a: {  	_ = 	snop  }
0x3b: {  	_ = 	snop  }
0x3c: {  	p2 =	seq.s32 s10, $0x1;
	s10 =	sld [smem:$0x3FB9]  }
0x3d: {  	_ =	shalt  }
0x3e: {  	_ =	shalt  }
0x3f: {  	_ =	shalt  }
0x40: {  	_ =	shalt  }
0x41: {  	_ =	shalt  }
0x42: {  	_ =	shalt  }
0x43: {  	_ =	shalt  }
0x44: {  	_ =	shalt  }
0x45: {  	_ =	shalt  }
0x46: {  	_ =	shalt  }
0x47: {  	_ =	shalt  }
0x48: {  	_ =	shalt  }
0x49: {  	_ =	shalt  }
0x4a: {  	_ =	shalt  }
0x4b: {  	_ =	shalt  }
0x4c: {  	_ =	shalt  }
0x4d: {  	_ =	shalt  }
0x4e: {  	_ =	shalt  }
0x4f: {  	_ =	shalt  }
0x50: {  	_ =	shalt  }
0x51: {  	_ =	shalt  }
0x52: {  	_ =	shalt  }
0x53: {  	_ =	shalt  }
0x54: {  	_ =	shalt  }
0x55: {  	_ =	shalt  }
0x56: {  	_ =	shalt  }
0x57: {  	_ =	shalt  }
0x58: {  	_ =	shalt  }
0x59: {  	_ =	shalt  }
0x5a: {  	_ =	shalt  }
0x5b: {  	_ =	shalt  }
0x5c: {  	_ =	shalt  }
0x5d: {  	_ =	shalt  }
0x5e: {  	_ =	shalt  }
0x5f: {  	_ =	shalt  }
0x60: {  	_ =	shalt  }
0x61: {  	_ =	shalt  }
0x62: {  	_ =	shalt  }
0x63: {  	_ =	shalt  }
0x64: {  	_ =	shalt  }
0x65: {  	_ =	shalt  }
0x66: {  	_ =	shalt  }
0x67: {  	_ =	shalt  }
0x68: {  	_ =	shalt  }
0x69: {  	_ =	shalt  }
0x6a: {  	_ =	shalt  }
0x6b: {  	_ =	shalt  }
0x6c: {  	_ =	shalt  }
0x6d: {  	_ =	shalt  }
0x6e: {  	_ =	shalt  }
0x6f: {  	_ =	shalt  }
0x70: {  	_ =	shalt  }
0x71: {  	_ =	shalt  }
0x72: {  	_ =	shalt  }
0x73: {  	_ =	shalt  }
0x74: {  	_ =	shalt  }
0x75: {  	_ =	shalt  }
0x76: {  	_ =	shalt  }
0x77: {  	_ =	shalt  }
0x78: {  	_ =	shalt  }
0x79: {  	_ =	shalt  }
0x7a: {  	_ =	shalt  }
0x7b: {  	_ =	shalt  }
0x7c: {  	_ =	shalt  }
0x7d: {  	_ =	shalt  }
0x7e: {  	_ =	shalt  }
0x7f: {  	_ =	shalt  }
0x80: {  	_ =	shalt  }
0x81: {  	_ =	shalt  }
0x82: {  	_ =	shalt  }
0x83: {  	_ =	shalt  }
0x84: {  	_ =	shalt  }
0x85: {  	_ =	shalt  }
0x86: {  	_ =	shalt  }
0x87: {  	_ =	shalt  }
.Lfunc_end0:
.L_simem_size_0:
called_computation_lowered:
.L_overlay_start_0:
0x88: {  	s2 =	sld [smem:$0x3FD9]  }
0x89: {  	s3 =	sld [smem:$0x3FFE];
	_ =	sdelay $0x1  }
0x8a: {  	s1 =	srdreg.scid  }
0x8b: {  	s0 =	sand.u32 $0x1, s1  }
0x8c: {  	s17 =	sshll.u32 s0, $0xA;
	s2 =	sadd.s32 s3, s2  }
0x8d: {  	s2 =	sadd.s32 s2, s17  }
0x8e: {  	[smem:$0x3FC5] =	sst s2  }
0x8f: {  	_ = 	snop  }
0x90: {  	s2 =	sld [smem:$0x3FC9]  }
0x91: {  	s18 =	sld [smem:$0x3FD0];
	(tm) =	ssettm $0x1  }
0x92: {  	s4 =	sld [smem:$0x3FFB];
	_ =	sdelay $0x3  }
0x93: {  	_ =	strace s4  }
0x94: {  	s4 =	sld [smem:$0x3FFC];
	_ =	sdelay $0x3  }
0x95: {  	_ =	strace s4  }
0x96: {  	s4 =	sld [smem:$0x3FFD];
	_ =	sdelay $0x3  }
0x97: {  	_ =	strace s4  }
0x98: {  	_ =	strace $0x8FFFFFFF  }
0x99: {  	s19 =	sld [smem:$0x3FDB];
	_ =	sdelay $0x1  }
0x9a: {  	s5 =	simm.s32 $_scs_section_size  }
0x9b: {  	s6 =	simm.s32 $_size__tile_overlayer_lowered;
	s7 =	simm.s32 $_tile_overlayer_lowered  }
0x9c: {  	s22 =	simm.s32 $0x1BFF;
	s21 =	sshll.u32 s7, $0x1;
	s4 =	sadd.s32 s5, s19  }
0x9d: {  	s8 =	simm.s32 $0x0;
	s20 =	sshll.u32 s6, $0x1;
	s6 =	sadd.s32 s21, s4  }
0x9e: {  	[timem:s8], [sflag:s22] =	dma.local [hbm:s6], s20  }
0x9f: {  	_ =	swait.ge [sflag:s22], s20  }
0xa0: {  	s5 =	ssub.s32 $0x0, s20;
	[sflag:s22] =	ssyncset.done $0x0  }
0xa1: {  	[sflag:s22] =	ssyncadd.s32 s5;
	_ =	sdelay $0x1  }
0xa2: {  	s23 =	simm.s32 $0x1B8B  }
0xa3: {  	_ =	swait.ge [sflag:s23], $0x1  }
0xa4: {  	[sflag:s23] =	ssyncset.done $0x0  }
0xa5: {  	s25 =	simm.s32 $0x1B8E;
	s24 =	sld [smem:$0x3FFE];
	[sflag:s23] =	ssyncadd.s32 $0xFFFFFFFF  }
0xa6: {  	s26 =	simm.s32 $execute0_lowered;
	[smem:$0x3FD2] =	sst s25  }
0xa7: {  	s6 =	sshll.u32 s26, $0x1;
	_ =	strace $0x80000046;
	[dreg:$0x1] =	wrdreg $0xFFFFFFFF  }
0xa8: {  	s28 =	simm.s32 $_size_execute0_lowered;
	s4 =	sadd.s32 s4, s6;
	[dreg:$0x0] =	wrdreg $0x0  }
0xa9: {  	s6 =	sshll.u32 s28, $0x1;
	[dreg:$0x2] =	wrdreg s4  }
0xaa: {  	[dreg:$0x3] =	wrdreg s6  }
0xab: {  	[dreg:$0x4] =	wrdreg $0xC0  }
0xac: {  	_ =	task [dreg:s8], $0x5FFFF  }
0xad: {  	[dreg:$0x1] =	wrdreg $0xFFFFFFFF  }
0xae: {  	[dreg:$0x0] =	wrdreg $0x60  }
0xaf: {  	[dreg:$0x2] =	wrdreg s24  }
0xb0: {  	[dreg:$0x3] =	wrdreg s2  }
0xb1: {  	[dreg:$0x4] =	wrdreg s18  }
0xb2: {  	[dreg:$0x5] =	wrdreg $0xC0000  }
0xb3: {  	[dreg:$0x6] =	wrdreg $0x9  }
0xb4: {  	_ =	task.clear_ibuf [dreg:s8], $0x7FFFF;
	_ =	strace $0x90000046  }
0xb5: {  	s29 =	simm.s32 $0x9;
	_ =	strace $0x80000048  }
0xb6: {  	_ =	swait.ge [sflag:s29], $0x1  }
0xb7: {  	[sflag:s29] =	ssyncadd.s32 $0xFFFFFFFF  }
0xb8: {  	_ =	strace $0x90000048  }
0xb9: {  	_ =	sfence  }
0xba: {  	s30 =	sld [smem:$0x0];
	_ =	sdelay $0x2  }
0xbb: {  	s31 =	sshll.u32 s1, $0xD;
	s1 =	sshrl.u32 s1, $0x2  }
0xbc: {  	s3 =	sand.u32 $0x4000, s31;
	s1 =	sadd.s32 s1, s30  }
0xbd: {  	s0 =	sor.u32 s3, s0;
	s1 =	sshll.u32 s1, $0x11  }
0xbe: {  	s0 =	sor.u32 s1, s0  }
0xbf: {  	s0 =	sadd.s32 $0x8F2B, s0  }
0xc0: {  	[sflag:s0] =	ssyncadd.remote.s32 $0x1  }
0xc1: {  	_ =	sfence.sel $0xFFFF  }
0xc2: {  	[dreg:$0x0] =	wrdreg $0xFFFFFFFF;
	(pc) =	sbr.abs _section_cstart, $3  }
0xc3: {  	[dreg:$0x1] =	wrdreg $0xFFFFFFFF  }
0xc4: {  	_ =	task.clear_ibuf [dreg:s8], $0x2FFFF;
	_ =	strace $0x9FFFFFFF  }
0xc5: {  	(tm) =	ssettm $0x7FFFFFFF  }
tec
execute0_lowered:
.L_overlay_start_1:
0x0: {  	(tag) =	ssettag $0x1  }
0x1: {  	s1 =	srdreg.scid  }
0x2: {  	s0 =	rddreg [dreg:$0x0];
	s11 =	stileid.u32;
	s3 =	sand.u32 $0x1, s1  }
0x3: {  	s2 =	rddreg [dreg:$0x1];
	s5 =	sshll.u32 s11, $0x12;
	s6 =	sshll.u32 s3, $0x11  }
0x4: {  	s4 =	rddreg [dreg:$0x2];
	s1 =	simm.s32 $0x0;
	s6 =	sor.u32 s6, s5  }
0x5: {  	s7 =	sshll.u32 s11, $0xD;
	[smem:$0x7FF] =	sst s1;
	s6 =	sshrl.u32 s6, $0x3  }
0x6: {  	s3 =	ssub.s32 $0x2, s3;
	s7 =	sadd.s32 s7, s0;
	s12 =	sor.u32 $0x400, s6  }
0x7: {  	s8 =	sshrl.u32 s3, $0x1;
	s14 =	sor.u32 $0x800, s6;
	s13 =	sadd.s32 s2, s12  }
0x8: {  	s9 =	sor.u32 $0xC00, s6;
	s10 =	sadd.s32 s2, s14;
	[dreg:$0x5] =	wrdreg s13  }
0x9: {  	s5 =	sshrl.u32 s5, $0x2;
	s15 =	sadd.s32 s2, s9;
	[dreg:$0x6] =	wrdreg s10  }
0xa: {  	s16 =	sor.u32 $0x1000, s6;
	s0 =	sadd.s32 s4, s12;
	[dreg:$0x7] =	wrdreg s15  }
0xb: {  	s8 =	ssub.s32 s3, s8;
	s17 =	sadd.s32 s2, s16;
	[dreg:$0x8] =	wrdreg s0  }
0xc: {  	s18 =	sor.u32 $0x1400, s6;
	s3 =	sadd.s32 s4, s14;
	[dreg:$0x9] =	wrdreg s17  }
0xd: {  	s20 =	sor.u32 $0x1800, s6;
	s19 =	sadd.s32 s2, s18;
	[dreg:$0xa] =	wrdreg s3  }
0xe: {  	s22 =	sor.u32 $0x1C00, s6;
	s9 =	sadd.s32 s4, s9;
	[dreg:$0xb] =	wrdreg s19  }
0xf: {  	s24 =	sor.u32 $0x2000, s6;
	s21 =	sadd.s32 s2, s20;
	[dreg:$0xc] =	wrdreg s9  }
0x10: {  	s26 =	sor.u32 $0x2400, s6;
	s23 =	sadd.s32 s2, s22;
	[dreg:$0xd] =	wrdreg s21  }
0x11: {  	s28 =	sadd.s32 s4, s6;
	s25 =	sadd.s32 s2, s24;
	[dreg:$0xf] =	wrdreg s23  }
0x12: {  	s12 =	sadd.s32 s2, s26;
	s14 =	sadd.s32 s4, s24;
	[dreg:$0x11] =	wrdreg s25  }
0x13: {  	s10 =	sadd.s32 s4, s16;
	s0 =	sadd.s32 s4, s18;
	[dreg:$0x13] =	wrdreg s12  }
0x14: {  	s3 =	sadd.s32 s4, s20;
	s13 =	sadd.s32 s4, s22;
	[dreg:$0x15] =	wrdreg s14  }
0x15: {  	s15 =	sor.u32 $0x2800, s6;
	s17 =	sor.u32 $0x2C00, s6;
	s19 =	sor.u32 $0x3000, s6  }
0x16: {  	s21 =	sor.u32 $0x3400, s6;
	s22 =	sor.u32 $0x3800, s6;
	[dreg:$0xe] =	wrdreg s10  }
0x17: {  	s23 =	sshll.u32 s11, $0x6;
	s9 =	simm.s32 $0x2000;
	[dreg:$0x10] =	wrdreg s0  }
0x18: {  	s11 =	simm.s32 $0x7;
	s12 =	simm.s32 $0x4000;
	[dreg:$0x12] =	wrdreg s3  }
0x19: {  	s14 =	simm.s32 $0x2;
	[dreg:$0x14] =	wrdreg s13;
	s0 =	sadd.s32 s4, s26  }
0x1a: {  	s16 =	sadd.s32 s2, s15;
	s18 =	sadd.s32 s2, s17;
	s20 =	sadd.s32 s2, s19  }
0x1b: {  	s25 =	sadd.s32 s4, s19;
	s26 =	sadd.s32 s2, s6;
	s6 =	sor.u32 $0x3C00, s6  }
0x1c: {  	s29 =	sadd.s32 s2, s21;
	s31 =	sadd.s32 s2, s22;
	[dreg:$0x16] =	wrdreg s0  }
0x1d: {  	s3 =	sadd.s32 s4, s22;
	s10 =	simm.s32 $0x1;
	[dreg:$0x17] =	wrdreg s16  }
0x1e: {  	s13 =	simm.s32 $0x8000;
	s19 =	simm.s32 $0x4;
	[dreg:$0x19] =	wrdreg s18  }
0x1f: {  	s0 =	sadd.s32 s4, s15;
	[dreg:$0x1b] =	wrdreg s20;
	s30 =	sadd.s32 s2, s6  }
0x20: {  	s2 =	rddreg [dreg:$0x3];
	s15 =	simm.s32 $0x6000;
	s16 =	simm.s32 $0xA000  }
0x21: {  	s18 =	simm.s32 $0x5;
	s20 =	simm.s32 $0x6;
	[dreg:$0x18] =	wrdreg s0  }
0x22: {  	s0 =	sadd.s32 s4, s17;
	s24 =	sadd.s32 s5, s2;
	s5 =	sadd.s32 $0x800, s7  }
0x23: {  	s7 =	smax.u32 s8, $0x1;
	s17 =	simm.s32 $0x3;
	[dreg:$0x1a] =	wrdreg s0  }
0x24: {  	s0 =	sadd.s32 s4, s21;
	s4 =	sadd.s32 s4, s6;
	s6 =	sor.u32 $0x1C07, s23  }
0x25: {  	s8 =	sshrl.u32 s24, $0x3;
	s21 =	simm.s32 $0x0;
	_ =	strace $0x80000047  }
.LBB2_1:
0x26: {  	[tilespmem:s1], [sflag:$0x1] =	stream.linear.gather [hbm4b:s26+s1], $0x2000, $0x38;
	[tilespmem:$0x1C000] =	vst v63  }
0x27: {  	[spmem:s8], [sflag:s6] =	dma.local [hbm:s5], $0x2000  }
0x28: {  	s22 =	rddreg [dreg:$0x5]  }
0x29: {  	[tilespmem:s9], [sflag:$0x2] =	stream.linear.gather [hbm4b:s22+s1], $0x2000, $0x38;
	[tilespmem:$0x1C000] =	vst v63  }
0x2a: {  	_ =	swait.ge [sflag:s10], $0x2000  }
0x2b: {  	[sflag:s10] =	ssyncset.done $0x0  }
0x2c: {  	s24 =	simm.s32 $0x40;
	[sflag:s10] =	ssyncadd.s32 $0xFFFFE000  }
0x2d: {  	v1 =	vld [tilespmem:s24+$0x30]  }
0x2e: {  	v3 =	vld [tilespmem:s24+$0xFFFFFFD0]  }
0x2f: {  	v7 =	vld [tilespmem:s24+$0xFFFFFFE0]  }
0x30: {  	v4 =	vld [tilespmem:s24+$0xFFFFFFF0]  }
0x31: {  	v2 =	vld [tilespmem:s24+$0x0]  }
0x32: {  	v0 =	vld [tilespmem:s24+$0x10];
	v5 =	vtrunc.f32 v1  }
0x33: {  	v6 =	vtrunc.f32 v3;
	v1 =	vld [tilespmem:s24+$0x20];
	v5 =	vcvt.f32.s32 v5  }
0x34: {  	s23 =	simm.s32 $0x0;
	s22 =	simm.s32 $0x4040;
	v3 =	vld [tilespmem:s24+$0xFFFFFFC0];
	v7 =	vtrunc.f32 v7;
	s24 =	simm.s32 $0xC0;
	v6 =	vcvt.f32.s32 v6  }
.LBB2_2:
0x35: {  	v8 =	vld [tilespmem:s24+$0x30];
	s23 =	sadd.s32 $0x80, s23;
	v7 =	vcvt.f32.s32 v7;
	v4 =	vtrunc.f32 v4;
	[tilespmem:s22+$0x30] =	vst v5  }
0x36: {  	v5 =	vld [tilespmem:s24+$0xFFFFFFD0];
	p0 =	slt.u32 s23, $0x1F80;
	[tilespmem:s22+$0xFFFFFFD0] =	vst v6;
	v6 =	vcvt.f32.s32 v4;
	v2 =	vtrunc.f32 v2  }
0x37: {  	v9 =	vld [tilespmem:s24+$0xFFFFFFE0];
	[tilespmem:s22+$0xFFFFFFE0] =	vst v7;
	v7 =	vcvt.f32.s32 v2;
	v0 =	vtrunc.f32 v0  }
.Ltmp0:
0x38: {  	v4 =	vld [tilespmem:s24+$0xFFFFFFF0];
	[tilespmem:s22+$0xFFFFFFF0] =	vst v6;
	v6 =	vcvt.f32.s32 v0;
	v0 =	vtrunc.f32 v1;
	(pc) =	sbr.rel @p0 .LBB2_2-.Ltmp0, $4  }
0x39: {  	v2 =	vld [tilespmem:s24+$0x0];
	v1 =	vtrunc.f32 v3;
	[tilespmem:s22+$0x0] =	vst v7;
	v3 =	vcvt.f32.s32 v0  }
0x3a: {  	v0 =	vld [tilespmem:s24+$0x10];
	v7 =	vtrunc.f32 v8;
	v8 =	vcvt.f32.s32 v1;
	[tilespmem:s22+$0x10] =	vst v6  }
0x3b: {  	v6 =	vtrunc.f32 v5;
	v1 =	vld [tilespmem:s24+$0x20];
	v5 =	vcvt.f32.s32 v7;
	[tilespmem:s22+$0x20] =	vst v3  }
0x3c: {  	v3 =	vld [tilespmem:s24+$0xFFFFFFC0];
	v6 =	vcvt.f32.s32 v6;
	v7 =	vtrunc.f32 v9;
	s24 =	sadd.s32 $0x80, s24;
	[tilespmem:s22+$0xFFFFFFC0] =	vst v8;
	s22 =	sadd.s32 $0x80, s22  }
0x3d: {  	v7 =	vcvt.f32.s32 v7;
	v4 =	vtrunc.f32 v4;
	[tilespmem:s22+$0x30] =	vst v5  }
0x3e: {  	[tilespmem:s22+$0xFFFFFFD0] =	vst v6;
	v4 =	vcvt.f32.s32 v4;
	v2 =	vtrunc.f32 v2  }
0x3f: {  	[tilespmem:s22+$0xFFFFFFE0] =	vst v7;
	v2 =	vcvt.f32.s32 v2;
	v0 =	vtrunc.f32 v0  }
0x40: {  	[tilespmem:s22+$0xFFFFFFF0] =	vst v4;
	v0 =	vcvt.f32.s32 v0;
	v1 =	vtrunc.f32 v1  }
0x41: {  	v3 =	vtrunc.f32 v3;
	[tilespmem:s22+$0x0] =	vst v2;
	v1 =	vcvt.f32.s32 v1  }
0x42: {  	v2 =	vcvt.f32.s32 v3;
	[tilespmem:s22+$0x10] =	vst v0  }
0x43: {  	[tilespmem:s22+$0x20] =	vst v1  }
0x44: {  	[tilespmem:s22+$0xFFFFFFC0] =	vst v2  }
0x45: {  	_ =	swait.ge [sflag:s11], $0x2000  }
0x46: {  	[sflag:s11] =	ssyncset.done $0x0  }
0x47: {  	[sflag:s11] =	ssyncadd.s32 $0xFFFFE000  }
0x48: {  	[bflag:$0x0] =	sbarrier.arrive $0xFFFF  }
0x49: {  	[tilespmem:s13], [sflag:$0x3] =	stream.indirect.gather [spmem:s2], $0x1, s12, s9, $0xb8;
	[tilespmem:$0x1C000] =	vst v63  }
0x4a: {  	_ =	swait.ge [sflag:s14], $0x2000  }
0x4b: {  	[sflag:s14] =	ssyncset.done $0x0  }
0x4c: {  	s24 =	simm.s32 $0x2040;
	[sflag:s14] =	ssyncadd.s32 $0xFFFFE000  }
0x4d: {  	v1 =	vld [tilespmem:s24+$0x30]  }
0x4e: {  	v3 =	vld [tilespmem:s24+$0xFFFFFFD0]  }
0x4f: {  	v7 =	vld [tilespmem:s24+$0xFFFFFFE0]  }
0x50: {  	v4 =	vld [tilespmem:s24+$0xFFFFFFF0]  }
0x51: {  	v2 =	vld [tilespmem:s24+$0x0]  }
0x52: {  	v0 =	vld [tilespmem:s24+$0x10];
	v5 =	vtrunc.f32 v1  }
0x53: {  	v6 =	vtrunc.f32 v3;
	v1 =	vld [tilespmem:s24+$0x20];
	v5 =	vcvt.f32.s32 v5  }
0x54: {  	s23 =	simm.s32 $0x0;
	s22 =	simm.s32 $0x6040;
	v3 =	vld [tilespmem:s24+$0xFFFFFFC0];
	v7 =	vtrunc.f32 v7;
	s24 =	simm.s32 $0x20C0;
	v6 =	vcvt.f32.s32 v6  }
.LBB2_4:
0x55: {  	v8 =	vld [tilespmem:s24+$0x30];
	s23 =	sadd.s32 $0x80, s23;
	v7 =	vcvt.f32.s32 v7;
	v4 =	vtrunc.f32 v4;
	[tilespmem:s22+$0x30] =	vst v5  }
0x56: {  	v5 =	vld [tilespmem:s24+$0xFFFFFFD0];
	p0 =	slt.u32 s23, $0x1F80;
	[tilespmem:s22+$0xFFFFFFD0] =	vst v6;
	v6 =	vcvt.f32.s32 v4;
	v2 =	vtrunc.f32 v2  }
0x57: {  	v9 =	vld [tilespmem:s24+$0xFFFFFFE0];
	[tilespmem:s22+$0xFFFFFFE0] =	vst v7;
	v7 =	vcvt.f32.s32 v2;
	v0 =	vtrunc.f32 v0  }
.Ltmp1:
0x58: {  	v4 =	vld [tilespmem:s24+$0xFFFFFFF0];
	[tilespmem:s22+$0xFFFFFFF0] =	vst v6;
	v6 =	vcvt.f32.s32 v0;
	v0 =	vtrunc.f32 v1;
	(pc) =	sbr.rel @p0 .LBB2_4-.Ltmp1, $4  }
0x59: {  	v2 =	vld [tilespmem:s24+$0x0];
	v1 =	vtrunc.f32 v3;
	[tilespmem:s22+$0x0] =	vst v7;
	v3 =	vcvt.f32.s32 v0  }
0x5a: {  	v0 =	vld [tilespmem:s24+$0x10];
	v7 =	vtrunc.f32 v8;
	v8 =	vcvt.f32.s32 v1;
	[tilespmem:s22+$0x10] =	vst v6  }
0x5b: {  	v6 =	vtrunc.f32 v5;
	v1 =	vld [tilespmem:s24+$0x20];
	v5 =	vcvt.f32.s32 v7;
	[tilespmem:s22+$0x20] =	vst v3  }
0x5c: {  	v3 =	vld [tilespmem:s24+$0xFFFFFFC0];
	v6 =	vcvt.f32.s32 v6;
	v7 =	vtrunc.f32 v9;
	s24 =	sadd.s32 $0x80, s24;
	[tilespmem:s22+$0xFFFFFFC0] =	vst v8;
	s22 =	sadd.s32 $0x80, s22  }
0x5d: {  	v7 =	vcvt.f32.s32 v7;
	v4 =	vtrunc.f32 v4;
	[tilespmem:s22+$0x30] =	vst v5  }
0x5e: {  	[tilespmem:s22+$0xFFFFFFD0] =	vst v6;
	v4 =	vcvt.f32.s32 v4;
	v2 =	vtrunc.f32 v2  }
0x5f: {  	[tilespmem:s22+$0xFFFFFFE0] =	vst v7;
	v2 =	vcvt.f32.s32 v2;
	v0 =	vtrunc.f32 v0  }
0x60: {  	[tilespmem:s22+$0xFFFFFFF0] =	vst v4;
	v0 =	vcvt.f32.s32 v0;
	v1 =	vtrunc.f32 v1  }
0x61: {  	v3 =	vtrunc.f32 v3;
	[tilespmem:s22+$0x0] =	vst v2;
	v1 =	vcvt.f32.s32 v1  }
0x62: {  	v2 =	vcvt.f32.s32 v3;
	[tilespmem:s22+$0x10] =	vst v0  }
0x63: {  	[tilespmem:s22+$0x20] =	vst v1  }
0x64: {  	[tilespmem:s22+$0xFFFFFFC0] =	vst v2  }
0x65: {  	[tilespmem:s16], [sflag:$0x4] =	stream.indirect.gather [spmem:s2], $0x1, s15, s9, $0xb8;
	[tilespmem:$0x1C000] =	vst v63  }
0x66: {  	s22 =	rddreg [dreg:$0x6]  }
0x67: {  	[tilespmem:s1], [sflag:$0x1] =	stream.linear.gather [hbm4b:s22+s1], $0x2000, $0x38;
	[tilespmem:$0x1C000] =	vst v63  }
0x68: {  	_ =	swait.ge [sflag:s17], $0x2000  }
0x69: {  	[sflag:s17] =	ssyncset.done $0x0  }
0x6a: {  	[sflag:s17] =	ssyncadd.s32 $0xFFFFE000  }
0x6b: {  	[hbm4b:s28+s1] =	stream.linear.scatter [tilespmem:s13], [sflag:$0x5], $0x2000, $0x38;
	[tilespmem:$0x1C000] =	vst v63  }
0x6c: {  	_ =	swait.ge [sflag:s10], $0x2000  }
0x6d: {  	[sflag:s10] =	ssyncset.done $0x0  }
0x6e: {  	s24 =	simm.s32 $0x40;
	[sflag:s10] =	ssyncadd.s32 $0xFFFFE000  }
0x6f: {  	v1 =	vld [tilespmem:s24+$0x30]  }
0x70: {  	v3 =	vld [tilespmem:s24+$0xFFFFFFD0]  }
0x71: {  	v7 =	vld [tilespmem:s24+$0xFFFFFFE0]  }
0x72: {  	v4 =	vld [tilespmem:s24+$0xFFFFFFF0]  }
0x73: {  	v2 =	vld [tilespmem:s24+$0x0]  }
0x74: {  	v0 =	vld [tilespmem:s24+$0x10];
	v5 =	vtrunc.f32 v1  }
0x75: {  	v6 =	vtrunc.f32 v3;
	v1 =	vld [tilespmem:s24+$0x20];
	v5 =	vcvt.f32.s32 v5  }
0x76: {  	s23 =	simm.s32 $0x0;
	s22 =	simm.s32 $0x4040;
	v3 =	vld [tilespmem:s24+$0xFFFFFFC0];
	v7 =	vtrunc.f32 v7;
	s24 =	simm.s32 $0xC0;
	v6 =	vcvt.f32.s32 v6  }
.LBB2_6:
0x77: {  	v8 =	vld [tilespmem:s24+$0x30];
	s23 =	sadd.s32 $0x80, s23;
	v7 =	vcvt.f32.s32 v7;
	v4 =	vtrunc.f32 v4;
	[tilespmem:s22+$0x30] =	vst v5  }
0x78: {  	v5 =	vld [tilespmem:s24+$0xFFFFFFD0];
	p0 =	slt.u32 s23, $0x1F80;
	[tilespmem:s22+$0xFFFFFFD0] =	vst v6;
	v6 =	vcvt.f32.s32 v4;
	v2 =	vtrunc.f32 v2  }
0x79: {  	v9 =	vld [tilespmem:s24+$0xFFFFFFE0];
	[tilespmem:s22+$0xFFFFFFE0] =	vst v7;
	v7 =	vcvt.f32.s32 v2;
	v0 =	vtrunc.f32 v0  }
.Ltmp2:
0x7a: {  	v4 =	vld [tilespmem:s24+$0xFFFFFFF0];
	[tilespmem:s22+$0xFFFFFFF0] =	vst v6;
	v6 =	vcvt.f32.s32 v0;
	v0 =	vtrunc.f32 v1;
	(pc) =	sbr.rel @p0 .LBB2_6-.Ltmp2, $4  }
0x7b: {  	v2 =	vld [tilespmem:s24+$0x0];
	v1 =	vtrunc.f32 v3;
	[tilespmem:s22+$0x0] =	vst v7;
	v3 =	vcvt.f32.s32 v0  }
0x7c: {  	v0 =	vld [tilespmem:s24+$0x10];
	v7 =	vtrunc.f32 v8;
	v8 =	vcvt.f32.s32 v1;
	[tilespmem:s22+$0x10] =	vst v6  }
0x7d: {  	v6 =	vtrunc.f32 v5;
	v1 =	vld [tilespmem:s24+$0x20];
	v5 =	vcvt.f32.s32 v7;
	[tilespmem:s22+$0x20] =	vst v3  }
0x7e: {  	v3 =	vld [tilespmem:s24+$0xFFFFFFC0];
	v6 =	vcvt.f32.s32 v6;
	v7 =	vtrunc.f32 v9;
	s24 =	sadd.s32 $0x80, s24;
	[tilespmem:s22+$0xFFFFFFC0] =	vst v8;
	s22 =	sadd.s32 $0x80, s22  }
0x7f: {  	v7 =	vcvt.f32.s32 v7;
	v4 =	vtrunc.f32 v4;
	[tilespmem:s22+$0x30] =	vst v5  }
0x80: {  	[tilespmem:s22+$0xFFFFFFD0] =	vst v6;
	v4 =	vcvt.f32.s32 v4;
	v2 =	vtrunc.f32 v2  }
0x81: {  	[tilespmem:s22+$0xFFFFFFE0] =	vst v7;
	v2 =	vcvt.f32.s32 v2;
	v0 =	vtrunc.f32 v0  }
0x82: {  	[tilespmem:s22+$0xFFFFFFF0] =	vst v4;
	v0 =	vcvt.f32.s32 v0;
	v1 =	vtrunc.f32 v1  }
0x83: {  	v3 =	vtrunc.f32 v3;
	[tilespmem:s22+$0x0] =	vst v2;
	v1 =	vcvt.f32.s32 v1  }
0x84: {  	v2 =	vcvt.f32.s32 v3;
	[tilespmem:s22+$0x10] =	vst v0  }
0x85: {  	[tilespmem:s22+$0x20] =	vst v1  }
0x86: {  	[tilespmem:s22+$0xFFFFFFC0] =	vst v2  }
0x87: {  	_ =	swait.ge [sflag:s18], $0x2000  }
0x88: {  	[sflag:s18] =	ssyncset.done $0x0  }
0x89: {  	[sflag:s18] =	ssyncadd.s32 $0xFFFFE000  }
0x8a: {  	[tilespmem:s13], [sflag:$0x3] =	stream.indirect.gather [spmem:s2], $0x1, s12, s9, $0xb8;
	[tilespmem:$0x1C000] =	vst v63  }
0x8b: {  	s23 =	rddreg [dreg:$0x7]  }
0x8c: {  	[tilespmem:s9], [sflag:$0x2] =	stream.linear.gather [hbm4b:s23+s1], $0x2000, $0x38;
	[tilespmem:$0x1C000] =	vst v63  }
0x8d: {  	_ =	swait.ge [sflag:s19], $0x2000  }
0x8e: {  	[sflag:s19] =	ssyncset.done $0x0  }
0x8f: {  	s24 =	rddreg [dreg:$0x8];
	[sflag:s19] =	ssyncadd.s32 $0xFFFFE000  }
0x90: {  	[hbm4b:s24+s1] =	stream.linear.scatter [tilespmem:s16], [sflag:$0x6], $0x2000, $0x38;
	[tilespmem:$0x1C000] =	vst v63  }
0x91: {  	_ =	swait.ge [sflag:s14], $0x2000  }
0x92: {  	[sflag:s14] =	ssyncset.done $0x0  }
0x93: {  	s24 =	simm.s32 $0x2040;
	[sflag:s14] =	ssyncadd.s32 $0xFFFFE000  }
0x94: {  	v1 =	vld [tilespmem:s24+$0x30]  }
0x95: {  	v3 =	vld [tilespmem:s24+$0xFFFFFFD0]  }
0x96: {  	v7 =	vld [tilespmem:s24+$0xFFFFFFE0]  }
0x97: {  	v4 =	vld [tilespmem:s24+$0xFFFFFFF0]  }
0x98: {  	v2 =	vld [tilespmem:s24+$0x0]  }
0x99: {  	v0 =	vld [tilespmem:s24+$0x10];
	v5 =	vtrunc.f32 v1  }
0x9a: {  	v6 =	vtrunc.f32 v3;
	v1 =	vld [tilespmem:s24+$0x20];
	v5 =	vcvt.f32.s32 v5  }
0x9b: {  	s22 =	simm.s32 $0x6040;
	s23 =	simm.s32 $0x0;
	v3 =	vld [tilespmem:s24+$0xFFFFFFC0];
	v7 =	vtrunc.f32 v7;
	s24 =	simm.s32 $0x20C0;
	v6 =	vcvt.f32.s32 v6  }
.LBB2_8:
0x9c: {  	v8 =	vld [tilespmem:s24+$0x30];
	s23 =	sadd.s32 $0x80, s23;
	v7 =	vcvt.f32.s32 v7;
	v4 =	vtrunc.f32 v4;
	[tilespmem:s22+$0x30] =	vst v5  }
0x9d: {  	v5 =	vld [tilespmem:s24+$0xFFFFFFD0];
	p0 =	slt.u32 s23, $0x1F80;
	[tilespmem:s22+$0xFFFFFFD0] =	vst v6;
	v6 =	vcvt.f32.s32 v4;
	v2 =	vtrunc.f32 v2  }
0x9e: {  	v9 =	vld [tilespmem:s24+$0xFFFFFFE0];
	[tilespmem:s22+$0xFFFFFFE0] =	vst v7;
	v7 =	vcvt.f32.s32 v2;
	v0 =	vtrunc.f32 v0  }
.Ltmp3:
0x9f: {  	v4 =	vld [tilespmem:s24+$0xFFFFFFF0];
	[tilespmem:s22+$0xFFFFFFF0] =	vst v6;
	v6 =	vcvt.f32.s32 v0;
	v0 =	vtrunc.f32 v1;
	(pc) =	sbr.rel @p0 .LBB2_8-.Ltmp3, $4  }
0xa0: {  	v2 =	vld [tilespmem:s24+$0x0];
	v1 =	vtrunc.f32 v3;
	[tilespmem:s22+$0x0] =	vst v7;
	v3 =	vcvt.f32.s32 v0  }
0xa1: {  	v0 =	vld [tilespmem:s24+$0x10];
	v7 =	vtrunc.f32 v8;
	v8 =	vcvt.f32.s32 v1;
	[tilespmem:s22+$0x10] =	vst v6  }
0xa2: {  	v6 =	vtrunc.f32 v5;
	v1 =	vld [tilespmem:s24+$0x20];
	v5 =	vcvt.f32.s32 v7;
	[tilespmem:s22+$0x20] =	vst v3  }
0xa3: {  	v3 =	vld [tilespmem:s24+$0xFFFFFFC0];
	v6 =	vcvt.f32.s32 v6;
	v7 =	vtrunc.f32 v9;
	s24 =	sadd.s32 $0x80, s24;
	[tilespmem:s22+$0xFFFFFFC0] =	vst v8;
	s22 =	sadd.s32 $0x80, s22  }
0xa4: {  	v7 =	vcvt.f32.s32 v7;
	v4 =	vtrunc.f32 v4;
	[tilespmem:s22+$0x30] =	vst v5  }
0xa5: {  	[tilespmem:s22+$0xFFFFFFD0] =	vst v6;
	v4 =	vcvt.f32.s32 v4;
	v2 =	vtrunc.f32 v2  }
0xa6: {  	[tilespmem:s22+$0xFFFFFFE0] =	vst v7;
	v2 =	vcvt.f32.s32 v2;
	v0 =	vtrunc.f32 v0  }
0xa7: {  	[tilespmem:s22+$0xFFFFFFF0] =	vst v4;
	v0 =	vcvt.f32.s32 v0;
	v1 =	vtrunc.f32 v1  }
0xa8: {  	v3 =	vtrunc.f32 v3;
	[tilespmem:s22+$0x0] =	vst v2;
	v1 =	vcvt.f32.s32 v1  }
0xa9: {  	v2 =	vcvt.f32.s32 v3;
	[tilespmem:s22+$0x10] =	vst v0  }
0xaa: {  	[tilespmem:s22+$0x20] =	vst v1  }
0xab: {  	[tilespmem:s22+$0xFFFFFFC0] =	vst v2  }
0xac: {  	_ =	swait.ge [sflag:s20], $0x2000  }
0xad: {  	[sflag:s20] =	ssyncset.done $0x0  }
0xae: {  	[sflag:s20] =	ssyncadd.s32 $0xFFFFE000  }
0xaf: {  	[tilespmem:s16], [sflag:$0x4] =	stream.indirect.gather [spmem:s2], $0x1, s15, s9, $0xb8;
	[tilespmem:$0x1C000] =	vst v63  }
0xb0: {  	s23 =	rddreg [dreg:$0x9]  }
0xb1: {  	[tilespmem:s1], [sflag:$0x1] =	stream.linear.gather [hbm4b:s23+s1], $0x2000, $0x38;
	[tilespmem:$0x1C000] =	vst v63  }
0xb2: {  	_ =	swait.ge [sflag:s17], $0x2000  }
0xb3: {  	[sflag:s17] =	ssyncset.done $0x0  }
0xb4: {  	s24 =	rddreg [dreg:$0xa];
	[sflag:s17] =	ssyncadd.s32 $0xFFFFE000  }
0xb5: {  	[hbm4b:s24+s1] =	stream.linear.scatter [tilespmem:s13], [sflag:$0x5], $0x2000, $0x38;
	[tilespmem:$0x1C000] =	vst v63  }
0xb6: {  	_ =	swait.ge [sflag:s10], $0x2000  }
0xb7: {  	[sflag:s10] =	ssyncset.done $0x0  }
0xb8: {  	s24 =	simm.s32 $0x40;
	[sflag:s10] =	ssyncadd.s32 $0xFFFFE000  }
0xb9: {  	v1 =	vld [tilespmem:s24+$0x30]  }
0xba: {  	v3 =	vld [tilespmem:s24+$0xFFFFFFD0]  }
0xbb: {  	v7 =	vld [tilespmem:s24+$0xFFFFFFE0]  }
0xbc: {  	v4 =	vld [tilespmem:s24+$0xFFFFFFF0]  }
0xbd: {  	v2 =	vld [tilespmem:s24+$0x0]  }
0xbe: {  	v0 =	vld [tilespmem:s24+$0x10];
	v5 =	vtrunc.f32 v1  }
0xbf: {  	v6 =	vtrunc.f32 v3;
	v1 =	vld [tilespmem:s24+$0x20];
	v5 =	vcvt.f32.s32 v5  }
0xc0: {  	s22 =	simm.s32 $0x4040;
	s23 =	simm.s32 $0x0;
	v3 =	vld [tilespmem:s24+$0xFFFFFFC0];
	v7 =	vtrunc.f32 v7;
	s24 =	simm.s32 $0xC0;
	v6 =	vcvt.f32.s32 v6  }
.LBB2_10:
0xc1: {  	v8 =	vld [tilespmem:s24+$0x30];
	s23 =	sadd.s32 $0x80, s23;
	v7 =	vcvt.f32.s32 v7;
	v4 =	vtrunc.f32 v4;
	[tilespmem:s22+$0x30] =	vst v5  }
0xc2: {  	v5 =	vld [tilespmem:s24+$0xFFFFFFD0];
	p0 =	slt.u32 s23, $0x1F80;
	[tilespmem:s22+$0xFFFFFFD0] =	vst v6;
	v6 =	vcvt.f32.s32 v4;
	v2 =	vtrunc.f32 v2  }
0xc3: {  	v9 =	vld [tilespmem:s24+$0xFFFFFFE0];
	[tilespmem:s22+$0xFFFFFFE0] =	vst v7;
	v7 =	vcvt.f32.s32 v2;
	v0 =	vtrunc.f32 v0  }
.Ltmp4:
0xc4: {  	v4 =	vld [tilespmem:s24+$0xFFFFFFF0];
	[tilespmem:s22+$0xFFFFFFF0] =	vst v6;
	v6 =	vcvt.f32.s32 v0;
	v0 =	vtrunc.f32 v1;
	(pc) =	sbr.rel @p0 .LBB2_10-.Ltmp4, $4  }
0xc5: {  	v2 =	vld [tilespmem:s24+$0x0];
	v1 =	vtrunc.f32 v3;
	[tilespmem:s22+$0x0] =	vst v7;
	v3 =	vcvt.f32.s32 v0  }
0xc6: {  	v0 =	vld [tilespmem:s24+$0x10];
	v7 =	vtrunc.f32 v8;
	v8 =	vcvt.f32.s32 v1;
	[tilespmem:s22+$0x10] =	vst v6  }
0xc7: {  	v6 =	vtrunc.f32 v5;
	v1 =	vld [tilespmem:s24+$0x20];
	v5 =	vcvt.f32.s32 v7;
	[tilespmem:s22+$0x20] =	vst v3  }
0xc8: {  	v3 =	vld [tilespmem:s24+$0xFFFFFFC0];
	v6 =	vcvt.f32.s32 v6;
	v7 =	vtrunc.f32 v9;
	s24 =	sadd.s32 $0x80, s24;
	[tilespmem:s22+$0xFFFFFFC0] =	vst v8;
	s22 =	sadd.s32 $0x80, s22  }
0xc9: {  	v7 =	vcvt.f32.s32 v7;
	v4 =	vtrunc.f32 v4;
	[tilespmem:s22+$0x30] =	vst v5  }
0xca: {  	[tilespmem:s22+$0xFFFFFFD0] =	vst v6;
	v4 =	vcvt.f32.s32 v4;
	v2 =	vtrunc.f32 v2  }
0xcb: {  	[tilespmem:s22+$0xFFFFFFE0] =	vst v7;
	v2 =	vcvt.f32.s32 v2;
	v0 =	vtrunc.f32 v0  }
0xcc: {  	[tilespmem:s22+$0xFFFFFFF0] =	vst v4;
	v0 =	vcvt.f32.s32 v0;
	v1 =	vtrunc.f32 v1  }
0xcd: {  	v3 =	vtrunc.f32 v3;
	[tilespmem:s22+$0x0] =	vst v2;
	v1 =	vcvt.f32.s32 v1  }
0xce: {  	v2 =	vcvt.f32.s32 v3;
	[tilespmem:s22+$0x10] =	vst v0  }
0xcf: {  	[tilespmem:s22+$0x20] =	vst v1  }
0xd0: {  	[tilespmem:s22+$0xFFFFFFC0] =	vst v2  }
0xd1: {  	_ =	swait.ge [sflag:s18], $0x2000  }
0xd2: {  	[sflag:s18] =	ssyncset.done $0x0  }
0xd3: {  	[sflag:s18] =	ssyncadd.s32 $0xFFFFE000  }
0xd4: {  	[tilespmem:s13], [sflag:$0x3] =	stream.indirect.gather [spmem:s2], $0x1, s12, s9, $0xb8;
	[tilespmem:$0x1C000] =	vst v63  }
0xd5: {  	s23 =	rddreg [dreg:$0xb]  }
0xd6: {  	[tilespmem:s9], [sflag:$0x2] =	stream.linear.gather [hbm4b:s23+s1], $0x2000, $0x38;
	[tilespmem:$0x1C000] =	vst v63  }
0xd7: {  	_ =	swait.ge [sflag:s19], $0x2000  }
0xd8: {  	[sflag:s19] =	ssyncset.done $0x0  }
0xd9: {  	s24 =	rddreg [dreg:$0xc];
	[sflag:s19] =	ssyncadd.s32 $0xFFFFE000  }
0xda: {  	[hbm4b:s24+s1] =	stream.linear.scatter [tilespmem:s16], [sflag:$0x6], $0x2000, $0x38;
	[tilespmem:$0x1C000] =	vst v63  }
0xdb: {  	_ =	swait.ge [sflag:s14], $0x2000  }
0xdc: {  	[sflag:s14] =	ssyncset.done $0x0  }
0xdd: {  	s24 =	simm.s32 $0x2040;
	[sflag:s14] =	ssyncadd.s32 $0xFFFFE000  }
0xde: {  	v1 =	vld [tilespmem:s24+$0x30]  }
0xdf: {  	v3 =	vld [tilespmem:s24+$0xFFFFFFD0]  }
0xe0: {  	v7 =	vld [tilespmem:s24+$0xFFFFFFE0]  }
0xe1: {  	v4 =	vld [tilespmem:s24+$0xFFFFFFF0]  }
0xe2: {  	v2 =	vld [tilespmem:s24+$0x0]  }
0xe3: {  	v0 =	vld [tilespmem:s24+$0x10];
	v5 =	vtrunc.f32 v1  }
0xe4: {  	v6 =	vtrunc.f32 v3;
	v1 =	vld [tilespmem:s24+$0x20];
	v5 =	vcvt.f32.s32 v5  }
0xe5: {  	s22 =	simm.s32 $0x6040;
	s23 =	simm.s32 $0x0;
	v3 =	vld [tilespmem:s24+$0xFFFFFFC0];
	v7 =	vtrunc.f32 v7;
	s24 =	simm.s32 $0x20C0;
	v6 =	vcvt.f32.s32 v6  }
.LBB2_12:
0xe6: {  	v8 =	vld [tilespmem:s24+$0x30];
	s23 =	sadd.s32 $0x80, s23;
	v7 =	vcvt.f32.s32 v7;
	v4 =	vtrunc.f32 v4;
	[tilespmem:s22+$0x30] =	vst v5  }
0xe7: {  	v5 =	vld [tilespmem:s24+$0xFFFFFFD0];
	p0 =	slt.u32 s23, $0x1F80;
	[tilespmem:s22+$0xFFFFFFD0] =	vst v6;
	v6 =	vcvt.f32.s32 v4;
	v2 =	vtrunc.f32 v2  }
0xe8: {  	v9 =	vld [tilespmem:s24+$0xFFFFFFE0];
	[tilespmem:s22+$0xFFFFFFE0] =	vst v7;
	v7 =	vcvt.f32.s32 v2;
	v0 =	vtrunc.f32 v0  }
.Ltmp5:
0xe9: {  	v4 =	vld [tilespmem:s24+$0xFFFFFFF0];
	[tilespmem:s22+$0xFFFFFFF0] =	vst v6;
	v6 =	vcvt.f32.s32 v0;
	v0 =	vtrunc.f32 v1;
	(pc) =	sbr.rel @p0 .LBB2_12-.Ltmp5, $4  }
0xea: {  	v2 =	vld [tilespmem:s24+$0x0];
	v1 =	vtrunc.f32 v3;
	[tilespmem:s22+$0x0] =	vst v7;
	v3 =	vcvt.f32.s32 v0  }
0xeb: {  	v0 =	vld [tilespmem:s24+$0x10];
	v7 =	vtrunc.f32 v8;
	v8 =	vcvt.f32.s32 v1;
	[tilespmem:s22+$0x10] =	vst v6  }
0xec: {  	v6 =	vtrunc.f32 v5;
	v1 =	vld [tilespmem:s24+$0x20];
	v5 =	vcvt.f32.s32 v7;
	[tilespmem:s22+$0x20] =	vst v3  }
0xed: {  	v3 =	vld [tilespmem:s24+$0xFFFFFFC0];
	v6 =	vcvt.f32.s32 v6;
	v7 =	vtrunc.f32 v9;
	s24 =	sadd.s32 $0x80, s24;
	[tilespmem:s22+$0xFFFFFFC0] =	vst v8;
	s22 =	sadd.s32 $0x80, s22  }
0xee: {  	v7 =	vcvt.f32.s32 v7;
	v4 =	vtrunc.f32 v4;
	[tilespmem:s22+$0x30] =	vst v5  }
0xef: {  	[tilespmem:s22+$0xFFFFFFD0] =	vst v6;
	v4 =	vcvt.f32.s32 v4;
	v2 =	vtrunc.f32 v2  }
0xf0: {  	[tilespmem:s22+$0xFFFFFFE0] =	vst v7;
	v2 =	vcvt.f32.s32 v2;
	v0 =	vtrunc.f32 v0  }
0xf1: {  	[tilespmem:s22+$0xFFFFFFF0] =	vst v4;
	v0 =	vcvt.f32.s32 v0;
	v1 =	vtrunc.f32 v1  }
0xf2: {  	v3 =	vtrunc.f32 v3;
	[tilespmem:s22+$0x0] =	vst v2;
	v1 =	vcvt.f32.s32 v1  }
0xf3: {  	v2 =	vcvt.f32.s32 v3;
	[tilespmem:s22+$0x10] =	vst v0  }
0xf4: {  	[tilespmem:s22+$0x20] =	vst v1  }
0xf5: {  	[tilespmem:s22+$0xFFFFFFC0] =	vst v2  }
0xf6: {  	_ =	swait.ge [sflag:s20], $0x2000  }
0xf7: {  	[sflag:s20] =	ssyncset.done $0x0  }
0xf8: {  	[sflag:s20] =	ssyncadd.s32 $0xFFFFE000  }
0xf9: {  	[tilespmem:s16], [sflag:$0x4] =	stream.indirect.gather [spmem:s2], $0x1, s15, s9, $0xb8;
	[tilespmem:$0x1C000] =	vst v63  }
0xfa: {  	s23 =	rddreg [dreg:$0xd]  }
0xfb: {  	[tilespmem:s1], [sflag:$0x1] =	stream.linear.gather [hbm4b:s23+s1], $0x2000, $0x38;
	[tilespmem:$0x1C000] =	vst v63  }
0xfc: {  	_ =	swait.ge [sflag:s17], $0x2000  }
0xfd: {  	[sflag:s17] =	ssyncset.done $0x0  }
0xfe: {  	s24 =	rddreg [dreg:$0xe];
	[sflag:s17] =	ssyncadd.s32 $0xFFFFE000  }
0xff: {  	[hbm4b:s24+s1] =	stream.linear.scatter [tilespmem:s13], [sflag:$0x5], $0x2000, $0x38;
	[tilespmem:$0x1C000] =	vst v63  }
0x100: {  	_ =	swait.ge [sflag:s10], $0x2000  }
0x101: {  	[sflag:s10] =	ssyncset.done $0x0  }
0x102: {  	s24 =	simm.s32 $0x40;
	[sflag:s10] =	ssyncadd.s32 $0xFFFFE000  }
0x103: {  	v1 =	vld [tilespmem:s24+$0x30]  }
0x104: {  	v3 =	vld [tilespmem:s24+$0xFFFFFFD0]  }
0x105: {  	v7 =	vld [tilespmem:s24+$0xFFFFFFE0]  }
0x106: {  	v4 =	vld [tilespmem:s24+$0xFFFFFFF0]  }
0x107: {  	v2 =	vld [tilespmem:s24+$0x0]  }
0x108: {  	v0 =	vld [tilespmem:s24+$0x10];
	v5 =	vtrunc.f32 v1  }
0x109: {  	v6 =	vtrunc.f32 v3;
	v1 =	vld [tilespmem:s24+$0x20];
	v5 =	vcvt.f32.s32 v5  }
0x10a: {  	s22 =	simm.s32 $0x4040;
	s23 =	simm.s32 $0x0;
	v3 =	vld [tilespmem:s24+$0xFFFFFFC0];
	v7 =	vtrunc.f32 v7;
	s24 =	simm.s32 $0xC0;
	v6 =	vcvt.f32.s32 v6  }
.LBB2_14:
0x10b: {  	v8 =	vld [tilespmem:s24+$0x30];
	s23 =	sadd.s32 $0x80, s23;
	v7 =	vcvt.f32.s32 v7;
	v4 =	vtrunc.f32 v4;
	[tilespmem:s22+$0x30] =	vst v5  }
0x10c: {  	v5 =	vld [tilespmem:s24+$0xFFFFFFD0];
	p0 =	slt.u32 s23, $0x1F80;
	[tilespmem:s22+$0xFFFFFFD0] =	vst v6;
	v6 =	vcvt.f32.s32 v4;
	v2 =	vtrunc.f32 v2  }
0x10d: {  	v9 =	vld [tilespmem:s24+$0xFFFFFFE0];
	[tilespmem:s22+$0xFFFFFFE0] =	vst v7;
	v7 =	vcvt.f32.s32 v2;
	v0 =	vtrunc.f32 v0  }
.Ltmp6:
0x10e: {  	v4 =	vld [tilespmem:s24+$0xFFFFFFF0];
	[tilespmem:s22+$0xFFFFFFF0] =	vst v6;
	v6 =	vcvt.f32.s32 v0;
	v0 =	vtrunc.f32 v1;
	(pc) =	sbr.rel @p0 .LBB2_14-.Ltmp6, $4  }
0x10f: {  	v2 =	vld [tilespmem:s24+$0x0];
	v1 =	vtrunc.f32 v3;
	[tilespmem:s22+$0x0] =	vst v7;
	v3 =	vcvt.f32.s32 v0  }
0x110: {  	v0 =	vld [tilespmem:s24+$0x10];
	v7 =	vtrunc.f32 v8;
	v8 =	vcvt.f32.s32 v1;
	[tilespmem:s22+$0x10] =	vst v6  }
0x111: {  	v6 =	vtrunc.f32 v5;
	v1 =	vld [tilespmem:s24+$0x20];
	v5 =	vcvt.f32.s32 v7;
	[tilespmem:s22+$0x20] =	vst v3  }
0x112: {  	v3 =	vld [tilespmem:s24+$0xFFFFFFC0];
	v6 =	vcvt.f32.s32 v6;
	v7 =	vtrunc.f32 v9;
	s24 =	sadd.s32 $0x80, s24;
	[tilespmem:s22+$0xFFFFFFC0] =	vst v8;
	s22 =	sadd.s32 $0x80, s22  }
0x113: {  	v7 =	vcvt.f32.s32 v7;
	v4 =	vtrunc.f32 v4;
	[tilespmem:s22+$0x30] =	vst v5  }
0x114: {  	[tilespmem:s22+$0xFFFFFFD0] =	vst v6;
	v4 =	vcvt.f32.s32 v4;
	v2 =	vtrunc.f32 v2  }
0x115: {  	[tilespmem:s22+$0xFFFFFFE0] =	vst v7;
	v2 =	vcvt.f32.s32 v2;
	v0 =	vtrunc.f32 v0  }
0x116: {  	[tilespmem:s22+$0xFFFFFFF0] =	vst v4;
	v0 =	vcvt.f32.s32 v0;
	v1 =	vtrunc.f32 v1  }
0x117: {  	v3 =	vtrunc.f32 v3;
	[tilespmem:s22+$0x0] =	vst v2;
	v1 =	vcvt.f32.s32 v1  }
0x118: {  	v2 =	vcvt.f32.s32 v3;
	[tilespmem:s22+$0x10] =	vst v0  }
0x119: {  	[tilespmem:s22+$0x20] =	vst v1  }
0x11a: {  	[tilespmem:s22+$0xFFFFFFC0] =	vst v2  }
0x11b: {  	_ =	swait.ge [sflag:s18], $0x2000  }
0x11c: {  	[sflag:s18] =	ssyncset.done $0x0  }
0x11d: {  	[sflag:s18] =	ssyncadd.s32 $0xFFFFE000  }
0x11e: {  	[tilespmem:s13], [sflag:$0x3] =	stream.indirect.gather [spmem:s2], $0x1, s12, s9, $0xb8;
	[tilespmem:$0x1C000] =	vst v63  }
0x11f: {  	s23 =	rddreg [dreg:$0xf]  }
0x120: {  	[tilespmem:s9], [sflag:$0x2] =	stream.linear.gather [hbm4b:s23+s1], $0x2000, $0x38;
	[tilespmem:$0x1C000] =	vst v63  }
0x121: {  	_ =	swait.ge [sflag:s19], $0x2000  }
0x122: {  	[sflag:s19] =	ssyncset.done $0x0  }
0x123: {  	s24 =	rddreg [dreg:$0x10];
	[sflag:s19] =	ssyncadd.s32 $0xFFFFE000  }
0x124: {  	[hbm4b:s24+s1] =	stream.linear.scatter [tilespmem:s16], [sflag:$0x6], $0x2000, $0x38;
	[tilespmem:$0x1C000] =	vst v63  }
0x125: {  	_ =	swait.ge [sflag:s14], $0x2000  }
0x126: {  	[sflag:s14] =	ssyncset.done $0x0  }
0x127: {  	s24 =	simm.s32 $0x2040;
	[sflag:s14] =	ssyncadd.s32 $0xFFFFE000  }
0x128: {  	v1 =	vld [tilespmem:s24+$0x30]  }
0x129: {  	v3 =	vld [tilespmem:s24+$0xFFFFFFD0]  }
0x12a: {  	v7 =	vld [tilespmem:s24+$0xFFFFFFE0]  }
0x12b: {  	v4 =	vld [tilespmem:s24+$0xFFFFFFF0]  }
0x12c: {  	v2 =	vld [tilespmem:s24+$0x0]  }
0x12d: {  	v0 =	vld [tilespmem:s24+$0x10];
	v5 =	vtrunc.f32 v1  }
0x12e: {  	v6 =	vtrunc.f32 v3;
	v1 =	vld [tilespmem:s24+$0x20];
	v5 =	vcvt.f32.s32 v5  }
0x12f: {  	s22 =	simm.s32 $0x6040;
	s23 =	simm.s32 $0x0;
	v3 =	vld [tilespmem:s24+$0xFFFFFFC0];
	v7 =	vtrunc.f32 v7;
	s24 =	simm.s32 $0x20C0;
	v6 =	vcvt.f32.s32 v6  }
.LBB2_16:
0x130: {  	v8 =	vld [tilespmem:s24+$0x30];
	s23 =	sadd.s32 $0x80, s23;
	v7 =	vcvt.f32.s32 v7;
	v4 =	vtrunc.f32 v4;
	[tilespmem:s22+$0x30] =	vst v5  }
0x131: {  	v5 =	vld [tilespmem:s24+$0xFFFFFFD0];
	p0 =	slt.u32 s23, $0x1F80;
	[tilespmem:s22+$0xFFFFFFD0] =	vst v6;
	v6 =	vcvt.f32.s32 v4;
	v2 =	vtrunc.f32 v2  }
0x132: {  	v9 =	vld [tilespmem:s24+$0xFFFFFFE0];
	[tilespmem:s22+$0xFFFFFFE0] =	vst v7;
	v7 =	vcvt.f32.s32 v2;
	v0 =	vtrunc.f32 v0  }
.Ltmp7:
0x133: {  	v4 =	vld [tilespmem:s24+$0xFFFFFFF0];
	[tilespmem:s22+$0xFFFFFFF0] =	vst v6;
	v6 =	vcvt.f32.s32 v0;
	v0 =	vtrunc.f32 v1;
	(pc) =	sbr.rel @p0 .LBB2_16-.Ltmp7, $4  }
0x134: {  	v2 =	vld [tilespmem:s24+$0x0];
	v1 =	vtrunc.f32 v3;
	[tilespmem:s22+$0x0] =	vst v7;
	v3 =	vcvt.f32.s32 v0  }
0x135: {  	v0 =	vld [tilespmem:s24+$0x10];
	v7 =	vtrunc.f32 v8;
	v8 =	vcvt.f32.s32 v1;
	[tilespmem:s22+$0x10] =	vst v6  }
0x136: {  	v6 =	vtrunc.f32 v5;
	v1 =	vld [tilespmem:s24+$0x20];
	v5 =	vcvt.f32.s32 v7;
	[tilespmem:s22+$0x20] =	vst v3  }
0x137: {  	v3 =	vld [tilespmem:s24+$0xFFFFFFC0];
	v6 =	vcvt.f32.s32 v6;
	v7 =	vtrunc.f32 v9;
	s24 =	sadd.s32 $0x80, s24;
	[tilespmem:s22+$0xFFFFFFC0] =	vst v8;
	s22 =	sadd.s32 $0x80, s22  }
0x138: {  	v7 =	vcvt.f32.s32 v7;
	v4 =	vtrunc.f32 v4;
	[tilespmem:s22+$0x30] =	vst v5  }
0x139: {  	[tilespmem:s22+$0xFFFFFFD0] =	vst v6;
	v4 =	vcvt.f32.s32 v4;
	v2 =	vtrunc.f32 v2  }
0x13a: {  	[tilespmem:s22+$0xFFFFFFE0] =	vst v7;
	v2 =	vcvt.f32.s32 v2;
	v0 =	vtrunc.f32 v0  }
0x13b: {  	[tilespmem:s22+$0xFFFFFFF0] =	vst v4;
	v0 =	vcvt.f32.s32 v0;
	v1 =	vtrunc.f32 v1  }
0x13c: {  	v3 =	vtrunc.f32 v3;
	[tilespmem:s22+$0x0] =	vst v2;
	v1 =	vcvt.f32.s32 v1  }
0x13d: {  	v2 =	vcvt.f32.s32 v3;
	[tilespmem:s22+$0x10] =	vst v0  }
0x13e: {  	[tilespmem:s22+$0x20] =	vst v1  }
0x13f: {  	[tilespmem:s22+$0xFFFFFFC0] =	vst v2  }
0x140: {  	_ =	swait.ge [sflag:s20], $0x2000  }
0x141: {  	[sflag:s20] =	ssyncset.done $0x0  }
0x142: {  	[sflag:s20] =	ssyncadd.s32 $0xFFFFE000  }
0x143: {  	[tilespmem:s16], [sflag:$0x4] =	stream.indirect.gather [spmem:s2], $0x1, s15, s9, $0xb8;
	[tilespmem:$0x1C000] =	vst v63  }
0x144: {  	s23 =	rddreg [dreg:$0x11]  }
0x145: {  	[tilespmem:s1], [sflag:$0x1] =	stream.linear.gather [hbm4b:s23+s1], $0x2000, $0x38;
	[tilespmem:$0x1C000] =	vst v63  }
0x146: {  	_ =	swait.ge [sflag:s17], $0x2000  }
0x147: {  	[sflag:s17] =	ssyncset.done $0x0  }
0x148: {  	s24 =	rddreg [dreg:$0x12];
	[sflag:s17] =	ssyncadd.s32 $0xFFFFE000  }
0x149: {  	[hbm4b:s24+s1] =	stream.linear.scatter [tilespmem:s13], [sflag:$0x5], $0x2000, $0x38;
	[tilespmem:$0x1C000] =	vst v63  }
0x14a: {  	_ =	swait.ge [sflag:s10], $0x2000  }
0x14b: {  	[sflag:s10] =	ssyncset.done $0x0  }
0x14c: {  	s24 =	simm.s32 $0x40;
	[sflag:s10] =	ssyncadd.s32 $0xFFFFE000  }
0x14d: {  	v1 =	vld [tilespmem:s24+$0x30]  }
0x14e: {  	v3 =	vld [tilespmem:s24+$0xFFFFFFD0]  }
0x14f: {  	v7 =	vld [tilespmem:s24+$0xFFFFFFE0]  }
0x150: {  	v4 =	vld [tilespmem:s24+$0xFFFFFFF0]  }
0x151: {  	v2 =	vld [tilespmem:s24+$0x0]  }
0x152: {  	v0 =	vld [tilespmem:s24+$0x10];
	v5 =	vtrunc.f32 v1  }
0x153: {  	v6 =	vtrunc.f32 v3;
	v1 =	vld [tilespmem:s24+$0x20];
	v5 =	vcvt.f32.s32 v5  }
0x154: {  	s22 =	simm.s32 $0x4040;
	s23 =	simm.s32 $0x0;
	v3 =	vld [tilespmem:s24+$0xFFFFFFC0];
	v7 =	vtrunc.f32 v7;
	s24 =	simm.s32 $0xC0;
	v6 =	vcvt.f32.s32 v6  }
.LBB2_18:
0x155: {  	v8 =	vld [tilespmem:s24+$0x30];
	s23 =	sadd.s32 $0x80, s23;
	v7 =	vcvt.f32.s32 v7;
	v4 =	vtrunc.f32 v4;
	[tilespmem:s22+$0x30] =	vst v5  }
0x156: {  	v5 =	vld [tilespmem:s24+$0xFFFFFFD0];
	p0 =	slt.u32 s23, $0x1F80;
	[tilespmem:s22+$0xFFFFFFD0] =	vst v6;
	v6 =	vcvt.f32.s32 v4;
	v2 =	vtrunc.f32 v2  }
0x157: {  	v9 =	vld [tilespmem:s24+$0xFFFFFFE0];
	[tilespmem:s22+$0xFFFFFFE0] =	vst v7;
	v7 =	vcvt.f32.s32 v2;
	v0 =	vtrunc.f32 v0  }
.Ltmp8:
0x158: {  	v4 =	vld [tilespmem:s24+$0xFFFFFFF0];
	[tilespmem:s22+$0xFFFFFFF0] =	vst v6;
	v6 =	vcvt.f32.s32 v0;
	v0 =	vtrunc.f32 v1;
	(pc) =	sbr.rel @p0 .LBB2_18-.Ltmp8, $4  }
0x159: {  	v2 =	vld [tilespmem:s24+$0x0];
	v1 =	vtrunc.f32 v3;
	[tilespmem:s22+$0x0] =	vst v7;
	v3 =	vcvt.f32.s32 v0  }
0x15a: {  	v0 =	vld [tilespmem:s24+$0x10];
	v7 =	vtrunc.f32 v8;
	v8 =	vcvt.f32.s32 v1;
	[tilespmem:s22+$0x10] =	vst v6  }
0x15b: {  	v6 =	vtrunc.f32 v5;
	v1 =	vld [tilespmem:s24+$0x20];
	v5 =	vcvt.f32.s32 v7;
	[tilespmem:s22+$0x20] =	vst v3  }
0x15c: {  	v3 =	vld [tilespmem:s24+$0xFFFFFFC0];
	v6 =	vcvt.f32.s32 v6;
	v7 =	vtrunc.f32 v9;
	s24 =	sadd.s32 $0x80, s24;
	[tilespmem:s22+$0xFFFFFFC0] =	vst v8;
	s22 =	sadd.s32 $0x80, s22  }
0x15d: {  	v7 =	vcvt.f32.s32 v7;
	v4 =	vtrunc.f32 v4;
	[tilespmem:s22+$0x30] =	vst v5  }
0x15e: {  	[tilespmem:s22+$0xFFFFFFD0] =	vst v6;
	v4 =	vcvt.f32.s32 v4;
	v2 =	vtrunc.f32 v2  }
0x15f: {  	[tilespmem:s22+$0xFFFFFFE0] =	vst v7;
	v2 =	vcvt.f32.s32 v2;
	v0 =	vtrunc.f32 v0  }
0x160: {  	[tilespmem:s22+$0xFFFFFFF0] =	vst v4;
	v0 =	vcvt.f32.s32 v0;
	v1 =	vtrunc.f32 v1  }
0x161: {  	v3 =	vtrunc.f32 v3;
	[tilespmem:s22+$0x0] =	vst v2;
	v1 =	vcvt.f32.s32 v1  }
0x162: {  	v2 =	vcvt.f32.s32 v3;
	[tilespmem:s22+$0x10] =	vst v0  }
0x163: {  	[tilespmem:s22+$0x20] =	vst v1  }
0x164: {  	[tilespmem:s22+$0xFFFFFFC0] =	vst v2  }
0x165: {  	_ =	swait.ge [sflag:s18], $0x2000  }
0x166: {  	[sflag:s18] =	ssyncset.done $0x0  }
0x167: {  	[sflag:s18] =	ssyncadd.s32 $0xFFFFE000  }
0x168: {  	[tilespmem:s13], [sflag:$0x3] =	stream.indirect.gather [spmem:s2], $0x1, s12, s9, $0xb8;
	[tilespmem:$0x1C000] =	vst v63  }
0x169: {  	s23 =	rddreg [dreg:$0x13]  }
0x16a: {  	[tilespmem:s9], [sflag:$0x2] =	stream.linear.gather [hbm4b:s23+s1], $0x2000, $0x38;
	[tilespmem:$0x1C000] =	vst v63  }
0x16b: {  	_ =	swait.ge [sflag:s19], $0x2000  }
0x16c: {  	[sflag:s19] =	ssyncset.done $0x0  }
0x16d: {  	s24 =	rddreg [dreg:$0x14];
	[sflag:s19] =	ssyncadd.s32 $0xFFFFE000  }
0x16e: {  	[hbm4b:s24+s1] =	stream.linear.scatter [tilespmem:s16], [sflag:$0x6], $0x2000, $0x38;
	[tilespmem:$0x1C000] =	vst v63  }
0x16f: {  	_ =	swait.ge [sflag:s14], $0x2000  }
0x170: {  	[sflag:s14] =	ssyncset.done $0x0  }
0x171: {  	s24 =	simm.s32 $0x2040;
	[sflag:s14] =	ssyncadd.s32 $0xFFFFE000  }
0x172: {  	v1 =	vld [tilespmem:s24+$0x30]  }
0x173: {  	v3 =	vld [tilespmem:s24+$0xFFFFFFD0]  }
0x174: {  	v7 =	vld [tilespmem:s24+$0xFFFFFFE0]  }
0x175: {  	v4 =	vld [tilespmem:s24+$0xFFFFFFF0]  }
0x176: {  	v2 =	vld [tilespmem:s24+$0x0]  }
0x177: {  	v0 =	vld [tilespmem:s24+$0x10];
	v5 =	vtrunc.f32 v1  }
0x178: {  	v6 =	vtrunc.f32 v3;
	v1 =	vld [tilespmem:s24+$0x20];
	v5 =	vcvt.f32.s32 v5  }
0x179: {  	s22 =	simm.s32 $0x6040;
	s23 =	simm.s32 $0x0;
	v3 =	vld [tilespmem:s24+$0xFFFFFFC0];
	v7 =	vtrunc.f32 v7;
	s24 =	simm.s32 $0x20C0;
	v6 =	vcvt.f32.s32 v6  }
.LBB2_20:
0x17a: {  	v8 =	vld [tilespmem:s24+$0x30];
	s23 =	sadd.s32 $0x80, s23;
	v7 =	vcvt.f32.s32 v7;
	v4 =	vtrunc.f32 v4;
	[tilespmem:s22+$0x30] =	vst v5  }
0x17b: {  	v5 =	vld [tilespmem:s24+$0xFFFFFFD0];
	p0 =	slt.u32 s23, $0x1F80;
	[tilespmem:s22+$0xFFFFFFD0] =	vst v6;
	v6 =	vcvt.f32.s32 v4;
	v2 =	vtrunc.f32 v2  }
0x17c: {  	v9 =	vld [tilespmem:s24+$0xFFFFFFE0];
	[tilespmem:s22+$0xFFFFFFE0] =	vst v7;
	v7 =	vcvt.f32.s32 v2;
	v0 =	vtrunc.f32 v0  }
.Ltmp9:
0x17d: {  	v4 =	vld [tilespmem:s24+$0xFFFFFFF0];
	[tilespmem:s22+$0xFFFFFFF0] =	vst v6;
	v6 =	vcvt.f32.s32 v0;
	v0 =	vtrunc.f32 v1;
	(pc) =	sbr.rel @p0 .LBB2_20-.Ltmp9, $4  }
0x17e: {  	v2 =	vld [tilespmem:s24+$0x0];
	v1 =	vtrunc.f32 v3;
	[tilespmem:s22+$0x0] =	vst v7;
	v3 =	vcvt.f32.s32 v0  }
0x17f: {  	v0 =	vld [tilespmem:s24+$0x10];
	v7 =	vtrunc.f32 v8;
	v8 =	vcvt.f32.s32 v1;
	[tilespmem:s22+$0x10] =	vst v6  }
0x180: {  	v6 =	vtrunc.f32 v5;
	v1 =	vld [tilespmem:s24+$0x20];
	v5 =	vcvt.f32.s32 v7;
	[tilespmem:s22+$0x20] =	vst v3  }
0x181: {  	v3 =	vld [tilespmem:s24+$0xFFFFFFC0];
	v6 =	vcvt.f32.s32 v6;
	v7 =	vtrunc.f32 v9;
	s24 =	sadd.s32 $0x80, s24;
	[tilespmem:s22+$0xFFFFFFC0] =	vst v8;
	s22 =	sadd.s32 $0x80, s22  }
0x182: {  	v7 =	vcvt.f32.s32 v7;
	v4 =	vtrunc.f32 v4;
	[tilespmem:s22+$0x30] =	vst v5  }
0x183: {  	[tilespmem:s22+$0xFFFFFFD0] =	vst v6;
	v4 =	vcvt.f32.s32 v4;
	v2 =	vtrunc.f32 v2  }
0x184: {  	[tilespmem:s22+$0xFFFFFFE0] =	vst v7;
	v2 =	vcvt.f32.s32 v2;
	v0 =	vtrunc.f32 v0  }
0x185: {  	[tilespmem:s22+$0xFFFFFFF0] =	vst v4;
	v0 =	vcvt.f32.s32 v0;
	v1 =	vtrunc.f32 v1  }
0x186: {  	v3 =	vtrunc.f32 v3;
	[tilespmem:s22+$0x0] =	vst v2;
	v1 =	vcvt.f32.s32 v1  }
0x187: {  	v2 =	vcvt.f32.s32 v3;
	[tilespmem:s22+$0x10] =	vst v0  }
0x188: {  	[tilespmem:s22+$0x20] =	vst v1  }
0x189: {  	[tilespmem:s22+$0xFFFFFFC0] =	vst v2  }
0x18a: {  	_ =	swait.ge [sflag:s20], $0x2000  }
0x18b: {  	[sflag:s20] =	ssyncset.done $0x0  }
0x18c: {  	[sflag:s20] =	ssyncadd.s32 $0xFFFFE000  }
0x18d: {  	[tilespmem:s16], [sflag:$0x4] =	stream.indirect.gather [spmem:s2], $0x1, s15, s9, $0xb8;
	[tilespmem:$0x1C000] =	vst v63  }
0x18e: {  	s23 =	rddreg [dreg:$0x17]  }
0x18f: {  	[tilespmem:s1], [sflag:$0x1] =	stream.linear.gather [hbm4b:s23+s1], $0x2000, $0x38;
	[tilespmem:$0x1C000] =	vst v63  }
0x190: {  	_ =	swait.ge [sflag:s17], $0x2000  }
0x191: {  	[sflag:s17] =	ssyncset.done $0x0  }
0x192: {  	s24 =	rddreg [dreg:$0x15];
	[sflag:s17] =	ssyncadd.s32 $0xFFFFE000  }
0x193: {  	[hbm4b:s24+s1] =	stream.linear.scatter [tilespmem:s13], [sflag:$0x5], $0x2000, $0x38;
	[tilespmem:$0x1C000] =	vst v63  }
0x194: {  	_ =	swait.ge [sflag:s10], $0x2000  }
0x195: {  	[sflag:s10] =	ssyncset.done $0x0  }
0x196: {  	s24 =	simm.s32 $0x40;
	[sflag:s10] =	ssyncadd.s32 $0xFFFFE000  }
0x197: {  	v1 =	vld [tilespmem:s24+$0x30]  }
0x198: {  	v3 =	vld [tilespmem:s24+$0xFFFFFFD0]  }
0x199: {  	v7 =	vld [tilespmem:s24+$0xFFFFFFE0]  }
0x19a: {  	v4 =	vld [tilespmem:s24+$0xFFFFFFF0]  }
0x19b: {  	v2 =	vld [tilespmem:s24+$0x0]  }
0x19c: {  	v0 =	vld [tilespmem:s24+$0x10];
	v5 =	vtrunc.f32 v1  }
0x19d: {  	v6 =	vtrunc.f32 v3;
	v1 =	vld [tilespmem:s24+$0x20];
	v5 =	vcvt.f32.s32 v5  }
0x19e: {  	s22 =	simm.s32 $0x4040;
	s23 =	simm.s32 $0x0;
	v3 =	vld [tilespmem:s24+$0xFFFFFFC0];
	v7 =	vtrunc.f32 v7;
	s24 =	simm.s32 $0xC0;
	v6 =	vcvt.f32.s32 v6  }
.LBB2_22:
0x19f: {  	v8 =	vld [tilespmem:s24+$0x30];
	s23 =	sadd.s32 $0x80, s23;
	v7 =	vcvt.f32.s32 v7;
	v4 =	vtrunc.f32 v4;
	[tilespmem:s22+$0x30] =	vst v5  }
0x1a0: {  	v5 =	vld [tilespmem:s24+$0xFFFFFFD0];
	p0 =	slt.u32 s23, $0x1F80;
	[tilespmem:s22+$0xFFFFFFD0] =	vst v6;
	v6 =	vcvt.f32.s32 v4;
	v2 =	vtrunc.f32 v2  }
0x1a1: {  	v9 =	vld [tilespmem:s24+$0xFFFFFFE0];
	[tilespmem:s22+$0xFFFFFFE0] =	vst v7;
	v7 =	vcvt.f32.s32 v2;
	v0 =	vtrunc.f32 v0  }
.Ltmp10:
0x1a2: {  	v4 =	vld [tilespmem:s24+$0xFFFFFFF0];
	[tilespmem:s22+$0xFFFFFFF0] =	vst v6;
	v6 =	vcvt.f32.s32 v0;
	v0 =	vtrunc.f32 v1;
	(pc) =	sbr.rel @p0 .LBB2_22-.Ltmp10, $4  }
0x1a3: {  	v2 =	vld [tilespmem:s24+$0x0];
	v1 =	vtrunc.f32 v3;
	[tilespmem:s22+$0x0] =	vst v7;
	v3 =	vcvt.f32.s32 v0  }
0x1a4: {  	v0 =	vld [tilespmem:s24+$0x10];
	v7 =	vtrunc.f32 v8;
	v8 =	vcvt.f32.s32 v1;
	[tilespmem:s22+$0x10] =	vst v6  }
0x1a5: {  	v6 =	vtrunc.f32 v5;
	v1 =	vld [tilespmem:s24+$0x20];
	v5 =	vcvt.f32.s32 v7;
	[tilespmem:s22+$0x20] =	vst v3  }
0x1a6: {  	v3 =	vld [tilespmem:s24+$0xFFFFFFC0];
	v6 =	vcvt.f32.s32 v6;
	v7 =	vtrunc.f32 v9;
	s24 =	sadd.s32 $0x80, s24;
	[tilespmem:s22+$0xFFFFFFC0] =	vst v8;
	s22 =	sadd.s32 $0x80, s22  }
0x1a7: {  	v7 =	vcvt.f32.s32 v7;
	v4 =	vtrunc.f32 v4;
	[tilespmem:s22+$0x30] =	vst v5  }
0x1a8: {  	[tilespmem:s22+$0xFFFFFFD0] =	vst v6;
	v4 =	vcvt.f32.s32 v4;
	v2 =	vtrunc.f32 v2  }
0x1a9: {  	[tilespmem:s22+$0xFFFFFFE0] =	vst v7;
	v2 =	vcvt.f32.s32 v2;
	v0 =	vtrunc.f32 v0  }
0x1aa: {  	[tilespmem:s22+$0xFFFFFFF0] =	vst v4;
	v0 =	vcvt.f32.s32 v0;
	v1 =	vtrunc.f32 v1  }
0x1ab: {  	v3 =	vtrunc.f32 v3;
	[tilespmem:s22+$0x0] =	vst v2;
	v1 =	vcvt.f32.s32 v1  }
0x1ac: {  	v2 =	vcvt.f32.s32 v3;
	[tilespmem:s22+$0x10] =	vst v0  }
0x1ad: {  	[tilespmem:s22+$0x20] =	vst v1  }
0x1ae: {  	[tilespmem:s22+$0xFFFFFFC0] =	vst v2  }
0x1af: {  	_ =	swait.ge [sflag:s18], $0x2000  }
0x1b0: {  	[sflag:s18] =	ssyncset.done $0x0  }
0x1b1: {  	[sflag:s18] =	ssyncadd.s32 $0xFFFFE000  }
0x1b2: {  	[tilespmem:s13], [sflag:$0x3] =	stream.indirect.gather [spmem:s2], $0x1, s12, s9, $0xb8;
	[tilespmem:$0x1C000] =	vst v63  }
0x1b3: {  	s23 =	rddreg [dreg:$0x19]  }
0x1b4: {  	[tilespmem:s9], [sflag:$0x2] =	stream.linear.gather [hbm4b:s23+s1], $0x2000, $0x38;
	[tilespmem:$0x1C000] =	vst v63  }
0x1b5: {  	_ =	swait.ge [sflag:s19], $0x2000  }
0x1b6: {  	[sflag:s19] =	ssyncset.done $0x0  }
0x1b7: {  	s24 =	rddreg [dreg:$0x16];
	[sflag:s19] =	ssyncadd.s32 $0xFFFFE000  }
0x1b8: {  	[hbm4b:s24+s1] =	stream.linear.scatter [tilespmem:s16], [sflag:$0x6], $0x2000, $0x38;
	[tilespmem:$0x1C000] =	vst v63  }
0x1b9: {  	_ =	swait.ge [sflag:s14], $0x2000  }
0x1ba: {  	[sflag:s14] =	ssyncset.done $0x0  }
0x1bb: {  	s24 =	simm.s32 $0x2040;
	[sflag:s14] =	ssyncadd.s32 $0xFFFFE000  }
0x1bc: {  	v1 =	vld [tilespmem:s24+$0x30]  }
0x1bd: {  	v3 =	vld [tilespmem:s24+$0xFFFFFFD0]  }
0x1be: {  	v7 =	vld [tilespmem:s24+$0xFFFFFFE0]  }
0x1bf: {  	v4 =	vld [tilespmem:s24+$0xFFFFFFF0]  }
0x1c0: {  	v2 =	vld [tilespmem:s24+$0x0]  }
0x1c1: {  	v0 =	vld [tilespmem:s24+$0x10];
	v5 =	vtrunc.f32 v1  }
0x1c2: {  	v6 =	vtrunc.f32 v3;
	v1 =	vld [tilespmem:s24+$0x20];
	v5 =	vcvt.f32.s32 v5  }
0x1c3: {  	s22 =	simm.s32 $0x6040;
	s23 =	simm.s32 $0x0;
	v3 =	vld [tilespmem:s24+$0xFFFFFFC0];
	v7 =	vtrunc.f32 v7;
	s24 =	simm.s32 $0x20C0;
	v6 =	vcvt.f32.s32 v6  }
.LBB2_24:
0x1c4: {  	v8 =	vld [tilespmem:s24+$0x30];
	s23 =	sadd.s32 $0x80, s23;
	v7 =	vcvt.f32.s32 v7;
	v4 =	vtrunc.f32 v4;
	[tilespmem:s22+$0x30] =	vst v5  }
0x1c5: {  	v5 =	vld [tilespmem:s24+$0xFFFFFFD0];
	p0 =	slt.u32 s23, $0x1F80;
	[tilespmem:s22+$0xFFFFFFD0] =	vst v6;
	v6 =	vcvt.f32.s32 v4;
	v2 =	vtrunc.f32 v2  }
0x1c6: {  	v9 =	vld [tilespmem:s24+$0xFFFFFFE0];
	[tilespmem:s22+$0xFFFFFFE0] =	vst v7;
	v7 =	vcvt.f32.s32 v2;
	v0 =	vtrunc.f32 v0  }
.Ltmp11:
0x1c7: {  	v4 =	vld [tilespmem:s24+$0xFFFFFFF0];
	[tilespmem:s22+$0xFFFFFFF0] =	vst v6;
	v6 =	vcvt.f32.s32 v0;
	v0 =	vtrunc.f32 v1;
	(pc) =	sbr.rel @p0 .LBB2_24-.Ltmp11, $4  }
0x1c8: {  	v2 =	vld [tilespmem:s24+$0x0];
	v1 =	vtrunc.f32 v3;
	[tilespmem:s22+$0x0] =	vst v7;
	v3 =	vcvt.f32.s32 v0  }
0x1c9: {  	v0 =	vld [tilespmem:s24+$0x10];
	v7 =	vtrunc.f32 v8;
	v8 =	vcvt.f32.s32 v1;
	[tilespmem:s22+$0x10] =	vst v6  }
0x1ca: {  	v6 =	vtrunc.f32 v5;
	v1 =	vld [tilespmem:s24+$0x20];
	v5 =	vcvt.f32.s32 v7;
	[tilespmem:s22+$0x20] =	vst v3  }
0x1cb: {  	v3 =	vld [tilespmem:s24+$0xFFFFFFC0];
	v6 =	vcvt.f32.s32 v6;
	v7 =	vtrunc.f32 v9;
	s24 =	sadd.s32 $0x80, s24;
	[tilespmem:s22+$0xFFFFFFC0] =	vst v8;
	s22 =	sadd.s32 $0x80, s22  }
0x1cc: {  	v7 =	vcvt.f32.s32 v7;
	v4 =	vtrunc.f32 v4;
	[tilespmem:s22+$0x30] =	vst v5  }
0x1cd: {  	[tilespmem:s22+$0xFFFFFFD0] =	vst v6;
	v4 =	vcvt.f32.s32 v4;
	v2 =	vtrunc.f32 v2  }
0x1ce: {  	[tilespmem:s22+$0xFFFFFFE0] =	vst v7;
	v2 =	vcvt.f32.s32 v2;
	v0 =	vtrunc.f32 v0  }
0x1cf: {  	[tilespmem:s22+$0xFFFFFFF0] =	vst v4;
	v0 =	vcvt.f32.s32 v0;
	v1 =	vtrunc.f32 v1  }
0x1d0: {  	v3 =	vtrunc.f32 v3;
	[tilespmem:s22+$0x0] =	vst v2;
	v1 =	vcvt.f32.s32 v1  }
0x1d1: {  	v2 =	vcvt.f32.s32 v3;
	[tilespmem:s22+$0x10] =	vst v0  }
0x1d2: {  	[tilespmem:s22+$0x20] =	vst v1  }
0x1d3: {  	[tilespmem:s22+$0xFFFFFFC0] =	vst v2  }
0x1d4: {  	_ =	swait.ge [sflag:s20], $0x2000  }
0x1d5: {  	[sflag:s20] =	ssyncset.done $0x0  }
0x1d6: {  	[sflag:s20] =	ssyncadd.s32 $0xFFFFE000  }
0x1d7: {  	[tilespmem:s16], [sflag:$0x4] =	stream.indirect.gather [spmem:s2], $0x1, s15, s9, $0xb8;
	[tilespmem:$0x1C000] =	vst v63  }
0x1d8: {  	s23 =	rddreg [dreg:$0x1b]  }
0x1d9: {  	[tilespmem:s1], [sflag:$0x1] =	stream.linear.gather [hbm4b:s23+s1], $0x2000, $0x38;
	[tilespmem:$0x1C000] =	vst v63  }
0x1da: {  	_ =	swait.ge [sflag:s17], $0x2000  }
0x1db: {  	[sflag:s17] =	ssyncset.done $0x0  }
0x1dc: {  	s24 =	rddreg [dreg:$0x18];
	[sflag:s17] =	ssyncadd.s32 $0xFFFFE000  }
0x1dd: {  	[hbm4b:s24+s1] =	stream.linear.scatter [tilespmem:s13], [sflag:$0x5], $0x2000, $0x38;
	[tilespmem:$0x1C000] =	vst v63  }
0x1de: {  	_ =	swait.ge [sflag:s10], $0x2000  }
0x1df: {  	[sflag:s10] =	ssyncset.done $0x0  }
0x1e0: {  	s24 =	simm.s32 $0x40;
	[sflag:s10] =	ssyncadd.s32 $0xFFFFE000  }
0x1e1: {  	v1 =	vld [tilespmem:s24+$0x30]  }
0x1e2: {  	v3 =	vld [tilespmem:s24+$0xFFFFFFD0]  }
0x1e3: {  	v7 =	vld [tilespmem:s24+$0xFFFFFFE0]  }
0x1e4: {  	v4 =	vld [tilespmem:s24+$0xFFFFFFF0]  }
0x1e5: {  	v2 =	vld [tilespmem:s24+$0x0]  }
0x1e6: {  	v0 =	vld [tilespmem:s24+$0x10];
	v5 =	vtrunc.f32 v1  }
0x1e7: {  	v6 =	vtrunc.f32 v3;
	v1 =	vld [tilespmem:s24+$0x20];
	v5 =	vcvt.f32.s32 v5  }
0x1e8: {  	s22 =	simm.s32 $0x4040;
	s23 =	simm.s32 $0x0;
	v3 =	vld [tilespmem:s24+$0xFFFFFFC0];
	v7 =	vtrunc.f32 v7;
	s24 =	simm.s32 $0xC0;
	v6 =	vcvt.f32.s32 v6  }
.LBB2_26:
0x1e9: {  	v8 =	vld [tilespmem:s24+$0x30];
	s23 =	sadd.s32 $0x80, s23;
	v7 =	vcvt.f32.s32 v7;
	v4 =	vtrunc.f32 v4;
	[tilespmem:s22+$0x30] =	vst v5  }
0x1ea: {  	v5 =	vld [tilespmem:s24+$0xFFFFFFD0];
	p0 =	slt.u32 s23, $0x1F80;
	[tilespmem:s22+$0xFFFFFFD0] =	vst v6;
	v6 =	vcvt.f32.s32 v4;
	v2 =	vtrunc.f32 v2  }
0x1eb: {  	v9 =	vld [tilespmem:s24+$0xFFFFFFE0];
	[tilespmem:s22+$0xFFFFFFE0] =	vst v7;
	v7 =	vcvt.f32.s32 v2;
	v0 =	vtrunc.f32 v0  }
.Ltmp12:
0x1ec: {  	v4 =	vld [tilespmem:s24+$0xFFFFFFF0];
	[tilespmem:s22+$0xFFFFFFF0] =	vst v6;
	v6 =	vcvt.f32.s32 v0;
	v0 =	vtrunc.f32 v1;
	(pc) =	sbr.rel @p0 .LBB2_26-.Ltmp12, $4  }
0x1ed: {  	v2 =	vld [tilespmem:s24+$0x0];
	v1 =	vtrunc.f32 v3;
	[tilespmem:s22+$0x0] =	vst v7;
	v3 =	vcvt.f32.s32 v0  }
0x1ee: {  	v0 =	vld [tilespmem:s24+$0x10];
	v7 =	vtrunc.f32 v8;
	v8 =	vcvt.f32.s32 v1;
	[tilespmem:s22+$0x10] =	vst v6  }
0x1ef: {  	v6 =	vtrunc.f32 v5;
	v1 =	vld [tilespmem:s24+$0x20];
	v5 =	vcvt.f32.s32 v7;
	[tilespmem:s22+$0x20] =	vst v3  }
0x1f0: {  	v3 =	vld [tilespmem:s24+$0xFFFFFFC0];
	v6 =	vcvt.f32.s32 v6;
	v7 =	vtrunc.f32 v9;
	s24 =	sadd.s32 $0x80, s24;
	[tilespmem:s22+$0xFFFFFFC0] =	vst v8;
	s22 =	sadd.s32 $0x80, s22  }
0x1f1: {  	v7 =	vcvt.f32.s32 v7;
	v4 =	vtrunc.f32 v4;
	[tilespmem:s22+$0x30] =	vst v5  }
0x1f2: {  	[tilespmem:s22+$0xFFFFFFD0] =	vst v6;
	v4 =	vcvt.f32.s32 v4;
	v2 =	vtrunc.f32 v2  }
0x1f3: {  	[tilespmem:s22+$0xFFFFFFE0] =	vst v7;
	v2 =	vcvt.f32.s32 v2;
	v0 =	vtrunc.f32 v0  }
0x1f4: {  	[tilespmem:s22+$0xFFFFFFF0] =	vst v4;
	v0 =	vcvt.f32.s32 v0;
	v1 =	vtrunc.f32 v1  }
0x1f5: {  	v3 =	vtrunc.f32 v3;
	[tilespmem:s22+$0x0] =	vst v2;
	v1 =	vcvt.f32.s32 v1  }
0x1f6: {  	v2 =	vcvt.f32.s32 v3;
	[tilespmem:s22+$0x10] =	vst v0  }
0x1f7: {  	[tilespmem:s22+$0x20] =	vst v1  }
0x1f8: {  	[tilespmem:s22+$0xFFFFFFC0] =	vst v2  }
0x1f9: {  	_ =	swait.ge [sflag:s18], $0x2000  }
0x1fa: {  	[sflag:s18] =	ssyncset.done $0x0  }
0x1fb: {  	[sflag:s18] =	ssyncadd.s32 $0xFFFFE000  }
0x1fc: {  	[tilespmem:s13], [sflag:$0x3] =	stream.indirect.gather [spmem:s2], $0x1, s12, s9, $0xb8;
	[tilespmem:$0x1C000] =	vst v63  }
0x1fd: {  	_ = 	snop  }
0x1fe: {  	[tilespmem:s9], [sflag:$0x2] =	stream.linear.gather [hbm4b:s29+s1], $0x2000, $0x38;
	[tilespmem:$0x1C000] =	vst v63  }
0x1ff: {  	_ =	swait.ge [sflag:s19], $0x2000  }
0x200: {  	[sflag:s19] =	ssyncset.done $0x0  }
0x201: {  	s24 =	rddreg [dreg:$0x1a];
	[sflag:s19] =	ssyncadd.s32 $0xFFFFE000  }
0x202: {  	[hbm4b:s24+s1] =	stream.linear.scatter [tilespmem:s16], [sflag:$0x6], $0x2000, $0x38;
	[tilespmem:$0x1C000] =	vst v63  }
0x203: {  	_ =	swait.ge [sflag:s14], $0x2000  }
0x204: {  	[sflag:s14] =	ssyncset.done $0x0  }
0x205: {  	s24 =	simm.s32 $0x2040;
	[sflag:s14] =	ssyncadd.s32 $0xFFFFE000  }
0x206: {  	v1 =	vld [tilespmem:s24+$0x30]  }
0x207: {  	v3 =	vld [tilespmem:s24+$0xFFFFFFD0]  }
0x208: {  	v7 =	vld [tilespmem:s24+$0xFFFFFFE0]  }
0x209: {  	v4 =	vld [tilespmem:s24+$0xFFFFFFF0]  }
0x20a: {  	v2 =	vld [tilespmem:s24+$0x0]  }
0x20b: {  	v0 =	vld [tilespmem:s24+$0x10];
	v5 =	vtrunc.f32 v1  }
0x20c: {  	v6 =	vtrunc.f32 v3;
	v1 =	vld [tilespmem:s24+$0x20];
	v5 =	vcvt.f32.s32 v5  }
0x20d: {  	s23 =	simm.s32 $0x0;
	s22 =	simm.s32 $0x6040;
	v3 =	vld [tilespmem:s24+$0xFFFFFFC0];
	v7 =	vtrunc.f32 v7;
	s24 =	simm.s32 $0x20C0;
	v6 =	vcvt.f32.s32 v6  }
.LBB2_28:
0x20e: {  	v8 =	vld [tilespmem:s24+$0x30];
	s23 =	sadd.s32 $0x80, s23;
	v7 =	vcvt.f32.s32 v7;
	v4 =	vtrunc.f32 v4;
	[tilespmem:s22+$0x30] =	vst v5  }
0x20f: {  	v5 =	vld [tilespmem:s24+$0xFFFFFFD0];
	p0 =	slt.u32 s23, $0x1F80;
	[tilespmem:s22+$0xFFFFFFD0] =	vst v6;
	v6 =	vcvt.f32.s32 v4;
	v2 =	vtrunc.f32 v2  }
0x210: {  	v9 =	vld [tilespmem:s24+$0xFFFFFFE0];
	[tilespmem:s22+$0xFFFFFFE0] =	vst v7;
	v7 =	vcvt.f32.s32 v2;
	v0 =	vtrunc.f32 v0  }
.Ltmp13:
0x211: {  	v4 =	vld [tilespmem:s24+$0xFFFFFFF0];
	[tilespmem:s22+$0xFFFFFFF0] =	vst v6;
	v6 =	vcvt.f32.s32 v0;
	v0 =	vtrunc.f32 v1;
	(pc) =	sbr.rel @p0 .LBB2_28-.Ltmp13, $4  }
0x212: {  	v2 =	vld [tilespmem:s24+$0x0];
	v1 =	vtrunc.f32 v3;
	[tilespmem:s22+$0x0] =	vst v7;
	v3 =	vcvt.f32.s32 v0  }
0x213: {  	v0 =	vld [tilespmem:s24+$0x10];
	v7 =	vtrunc.f32 v8;
	v8 =	vcvt.f32.s32 v1;
	[tilespmem:s22+$0x10] =	vst v6  }
0x214: {  	v6 =	vtrunc.f32 v5;
	v1 =	vld [tilespmem:s24+$0x20];
	v5 =	vcvt.f32.s32 v7;
	[tilespmem:s22+$0x20] =	vst v3  }
0x215: {  	v3 =	vld [tilespmem:s24+$0xFFFFFFC0];
	v6 =	vcvt.f32.s32 v6;
	v7 =	vtrunc.f32 v9;
	s24 =	sadd.s32 $0x80, s24;
	[tilespmem:s22+$0xFFFFFFC0] =	vst v8;
	s22 =	sadd.s32 $0x80, s22  }
0x216: {  	v7 =	vcvt.f32.s32 v7;
	v4 =	vtrunc.f32 v4;
	[tilespmem:s22+$0x30] =	vst v5  }
0x217: {  	[tilespmem:s22+$0xFFFFFFD0] =	vst v6;
	v4 =	vcvt.f32.s32 v4;
	v2 =	vtrunc.f32 v2  }
0x218: {  	[tilespmem:s22+$0xFFFFFFE0] =	vst v7;
	v2 =	vcvt.f32.s32 v2;
	v0 =	vtrunc.f32 v0  }
0x219: {  	[tilespmem:s22+$0xFFFFFFF0] =	vst v4;
	v0 =	vcvt.f32.s32 v0;
	v1 =	vtrunc.f32 v1  }
0x21a: {  	v3 =	vtrunc.f32 v3;
	[tilespmem:s22+$0x0] =	vst v2;
	v1 =	vcvt.f32.s32 v1  }
0x21b: {  	v2 =	vcvt.f32.s32 v3;
	[tilespmem:s22+$0x10] =	vst v0  }
0x21c: {  	[tilespmem:s22+$0x20] =	vst v1  }
0x21d: {  	[tilespmem:s22+$0xFFFFFFC0] =	vst v2  }
0x21e: {  	_ =	swait.ge [sflag:s20], $0x2000  }
0x21f: {  	[sflag:s20] =	ssyncset.done $0x0  }
0x220: {  	[sflag:s20] =	ssyncadd.s32 $0xFFFFE000  }
0x221: {  	[tilespmem:s16], [sflag:$0x4] =	stream.indirect.gather [spmem:s2], $0x1, s15, s9, $0xb8;
	[tilespmem:$0x1C000] =	vst v63  }
0x222: {  	_ = 	snop  }
0x223: {  	[tilespmem:s1], [sflag:$0x1] =	stream.linear.gather [hbm4b:s31+s1], $0x2000, $0x38;
	[tilespmem:$0x1C000] =	vst v63  }
0x224: {  	_ =	swait.ge [sflag:s17], $0x2000  }
0x225: {  	[sflag:s17] =	ssyncset.done $0x0  }
0x226: {  	[sflag:s17] =	ssyncadd.s32 $0xFFFFE000  }
0x227: {  	[hbm4b:s25+s1] =	stream.linear.scatter [tilespmem:s13], [sflag:$0x5], $0x2000, $0x38;
	[tilespmem:$0x1C000] =	vst v63  }
0x228: {  	_ =	swait.ge [sflag:s10], $0x2000  }
0x229: {  	[sflag:s10] =	ssyncset.done $0x0  }
0x22a: {  	s24 =	simm.s32 $0x40;
	[sflag:s10] =	ssyncadd.s32 $0xFFFFE000  }
0x22b: {  	v1 =	vld [tilespmem:s24+$0x30]  }
0x22c: {  	v3 =	vld [tilespmem:s24+$0xFFFFFFD0]  }
0x22d: {  	v7 =	vld [tilespmem:s24+$0xFFFFFFE0]  }
0x22e: {  	v4 =	vld [tilespmem:s24+$0xFFFFFFF0]  }
0x22f: {  	v2 =	vld [tilespmem:s24+$0x0]  }
0x230: {  	v0 =	vld [tilespmem:s24+$0x10];
	v5 =	vtrunc.f32 v1  }
0x231: {  	v6 =	vtrunc.f32 v3;
	v1 =	vld [tilespmem:s24+$0x20];
	v5 =	vcvt.f32.s32 v5  }
0x232: {  	s23 =	simm.s32 $0x0;
	s22 =	simm.s32 $0x4040;
	v3 =	vld [tilespmem:s24+$0xFFFFFFC0];
	v7 =	vtrunc.f32 v7;
	s24 =	simm.s32 $0xC0;
	v6 =	vcvt.f32.s32 v6  }
.LBB2_30:
0x233: {  	v8 =	vld [tilespmem:s24+$0x30];
	s23 =	sadd.s32 $0x80, s23;
	v7 =	vcvt.f32.s32 v7;
	v4 =	vtrunc.f32 v4;
	[tilespmem:s22+$0x30] =	vst v5  }
0x234: {  	v5 =	vld [tilespmem:s24+$0xFFFFFFD0];
	p0 =	slt.u32 s23, $0x1F80;
	[tilespmem:s22+$0xFFFFFFD0] =	vst v6;
	v6 =	vcvt.f32.s32 v4;
	v2 =	vtrunc.f32 v2  }
0x235: {  	v9 =	vld [tilespmem:s24+$0xFFFFFFE0];
	[tilespmem:s22+$0xFFFFFFE0] =	vst v7;
	v7 =	vcvt.f32.s32 v2;
	v0 =	vtrunc.f32 v0  }
.Ltmp14:
0x236: {  	v4 =	vld [tilespmem:s24+$0xFFFFFFF0];
	[tilespmem:s22+$0xFFFFFFF0] =	vst v6;
	v6 =	vcvt.f32.s32 v0;
	v0 =	vtrunc.f32 v1;
	(pc) =	sbr.rel @p0 .LBB2_30-.Ltmp14, $4  }
0x237: {  	v2 =	vld [tilespmem:s24+$0x0];
	v1 =	vtrunc.f32 v3;
	[tilespmem:s22+$0x0] =	vst v7;
	v3 =	vcvt.f32.s32 v0  }
0x238: {  	v0 =	vld [tilespmem:s24+$0x10];
	v7 =	vtrunc.f32 v8;
	v8 =	vcvt.f32.s32 v1;
	[tilespmem:s22+$0x10] =	vst v6  }
0x239: {  	v6 =	vtrunc.f32 v5;
	v1 =	vld [tilespmem:s24+$0x20];
	v5 =	vcvt.f32.s32 v7;
	[tilespmem:s22+$0x20] =	vst v3  }
0x23a: {  	v3 =	vld [tilespmem:s24+$0xFFFFFFC0];
	v6 =	vcvt.f32.s32 v6;
	v7 =	vtrunc.f32 v9;
	s24 =	sadd.s32 $0x80, s24;
	[tilespmem:s22+$0xFFFFFFC0] =	vst v8;
	s22 =	sadd.s32 $0x80, s22  }
0x23b: {  	v7 =	vcvt.f32.s32 v7;
	v4 =	vtrunc.f32 v4;
	[tilespmem:s22+$0x30] =	vst v5  }
0x23c: {  	[tilespmem:s22+$0xFFFFFFD0] =	vst v6;
	v4 =	vcvt.f32.s32 v4;
	v2 =	vtrunc.f32 v2  }
0x23d: {  	[tilespmem:s22+$0xFFFFFFE0] =	vst v7;
	v2 =	vcvt.f32.s32 v2;
	v0 =	vtrunc.f32 v0  }
0x23e: {  	[tilespmem:s22+$0xFFFFFFF0] =	vst v4;
	v0 =	vcvt.f32.s32 v0;
	v1 =	vtrunc.f32 v1  }
0x23f: {  	v3 =	vtrunc.f32 v3;
	[tilespmem:s22+$0x0] =	vst v2;
	v1 =	vcvt.f32.s32 v1  }
0x240: {  	v2 =	vcvt.f32.s32 v3;
	[tilespmem:s22+$0x10] =	vst v0  }
0x241: {  	[tilespmem:s22+$0x20] =	vst v1  }
0x242: {  	[tilespmem:s22+$0xFFFFFFC0] =	vst v2  }
0x243: {  	_ =	swait.ge [sflag:s18], $0x2000  }
0x244: {  	[sflag:s18] =	ssyncset.done $0x0  }
0x245: {  	[sflag:s18] =	ssyncadd.s32 $0xFFFFE000  }
0x246: {  	[tilespmem:s13], [sflag:$0x3] =	stream.indirect.gather [spmem:s2], $0x1, s12, s9, $0xb8;
	[tilespmem:$0x1C000] =	vst v63  }
0x247: {  	_ = 	snop  }
0x248: {  	[tilespmem:s9], [sflag:$0x2] =	stream.linear.gather [hbm4b:s30+s1], $0x2000, $0x38;
	[tilespmem:$0x1C000] =	vst v63  }
0x249: {  	_ =	swait.ge [sflag:s19], $0x2000  }
0x24a: {  	[sflag:s19] =	ssyncset.done $0x0  }
0x24b: {  	[sflag:s19] =	ssyncadd.s32 $0xFFFFE000  }
0x24c: {  	[hbm4b:s0+s1] =	stream.linear.scatter [tilespmem:s16], [sflag:$0x6], $0x2000, $0x38;
	[tilespmem:$0x1C000] =	vst v63  }
0x24d: {  	_ =	swait.ge [sflag:s14], $0x2000  }
0x24e: {  	[sflag:s14] =	ssyncset.done $0x0  }
0x24f: {  	s24 =	simm.s32 $0x2040;
	[sflag:s14] =	ssyncadd.s32 $0xFFFFE000  }
0x250: {  	v1 =	vld [tilespmem:s24+$0x30]  }
0x251: {  	v3 =	vld [tilespmem:s24+$0xFFFFFFD0]  }
0x252: {  	v7 =	vld [tilespmem:s24+$0xFFFFFFE0]  }
0x253: {  	v4 =	vld [tilespmem:s24+$0xFFFFFFF0]  }
0x254: {  	v2 =	vld [tilespmem:s24+$0x0]  }
0x255: {  	v0 =	vld [tilespmem:s24+$0x10];
	v5 =	vtrunc.f32 v1  }
0x256: {  	v6 =	vtrunc.f32 v3;
	v1 =	vld [tilespmem:s24+$0x20];
	v5 =	vcvt.f32.s32 v5  }
0x257: {  	s23 =	simm.s32 $0x0;
	s22 =	simm.s32 $0x6040;
	v3 =	vld [tilespmem:s24+$0xFFFFFFC0];
	v7 =	vtrunc.f32 v7;
	s24 =	simm.s32 $0x20C0;
	v6 =	vcvt.f32.s32 v6  }
.LBB2_32:
0x258: {  	v8 =	vld [tilespmem:s24+$0x30];
	s23 =	sadd.s32 $0x80, s23;
	v7 =	vcvt.f32.s32 v7;
	v4 =	vtrunc.f32 v4;
	[tilespmem:s22+$0x30] =	vst v5  }
0x259: {  	v5 =	vld [tilespmem:s24+$0xFFFFFFD0];
	p0 =	slt.u32 s23, $0x1F80;
	[tilespmem:s22+$0xFFFFFFD0] =	vst v6;
	v6 =	vcvt.f32.s32 v4;
	v2 =	vtrunc.f32 v2  }
0x25a: {  	v9 =	vld [tilespmem:s24+$0xFFFFFFE0];
	[tilespmem:s22+$0xFFFFFFE0] =	vst v7;
	v7 =	vcvt.f32.s32 v2;
	v0 =	vtrunc.f32 v0  }
.Ltmp15:
0x25b: {  	v4 =	vld [tilespmem:s24+$0xFFFFFFF0];
	[tilespmem:s22+$0xFFFFFFF0] =	vst v6;
	v6 =	vcvt.f32.s32 v0;
	v0 =	vtrunc.f32 v1;
	(pc) =	sbr.rel @p0 .LBB2_32-.Ltmp15, $4  }
0x25c: {  	v2 =	vld [tilespmem:s24+$0x0];
	v1 =	vtrunc.f32 v3;
	[tilespmem:s22+$0x0] =	vst v7;
	v3 =	vcvt.f32.s32 v0  }
0x25d: {  	v0 =	vld [tilespmem:s24+$0x10];
	v7 =	vtrunc.f32 v8;
	v8 =	vcvt.f32.s32 v1;
	[tilespmem:s22+$0x10] =	vst v6  }
0x25e: {  	v6 =	vtrunc.f32 v5;
	v1 =	vld [tilespmem:s24+$0x20];
	v5 =	vcvt.f32.s32 v7;
	[tilespmem:s22+$0x20] =	vst v3  }
0x25f: {  	v3 =	vld [tilespmem:s24+$0xFFFFFFC0];
	v6 =	vcvt.f32.s32 v6;
	v7 =	vtrunc.f32 v9;
	s24 =	sadd.s32 $0x80, s24;
	[tilespmem:s22+$0xFFFFFFC0] =	vst v8;
	s22 =	sadd.s32 $0x80, s22  }
0x260: {  	v7 =	vcvt.f32.s32 v7;
	v4 =	vtrunc.f32 v4;
	[tilespmem:s22+$0x30] =	vst v5  }
0x261: {  	[tilespmem:s22+$0xFFFFFFD0] =	vst v6;
	v4 =	vcvt.f32.s32 v4;
	v2 =	vtrunc.f32 v2  }
0x262: {  	[tilespmem:s22+$0xFFFFFFE0] =	vst v7;
	v2 =	vcvt.f32.s32 v2;
	v0 =	vtrunc.f32 v0  }
0x263: {  	[tilespmem:s22+$0xFFFFFFF0] =	vst v4;
	v0 =	vcvt.f32.s32 v0;
	v1 =	vtrunc.f32 v1  }
0x264: {  	v3 =	vtrunc.f32 v3;
	[tilespmem:s22+$0x0] =	vst v2;
	v1 =	vcvt.f32.s32 v1  }
0x265: {  	v63 =	vcvt.f32.s32 v3;
	[tilespmem:s22+$0x10] =	vst v0  }
0x266: {  	[tilespmem:s22+$0x20] =	vst v1  }
0x267: {  	[tilespmem:s22+$0xFFFFFFC0] =	vst v63  }
0x268: {  	_ =	swait.ge [sflag:s20], $0x2000  }
0x269: {  	[sflag:s20] =	ssyncset.done $0x0  }
0x26a: {  	[sflag:s20] =	ssyncadd.s32 $0xFFFFE000  }
0x26b: {  	[tilespmem:s16], [sflag:$0x4] =	stream.indirect.gather [spmem:s2], $0x1, s15, s9, $0xb8;
	[tilespmem:$0x1C000] =	vst v63  }
0x26c: {  	_ =	swait.ge [sflag:s17], $0x2000  }
0x26d: {  	[sflag:s17] =	ssyncset.done $0x0  }
0x26e: {  	[sflag:s17] =	ssyncadd.s32 $0xFFFFE000  }
0x26f: {  	[hbm4b:s3+s1] =	stream.linear.scatter [tilespmem:s13], [sflag:$0x5], $0x2000, $0x38;
	[tilespmem:$0x1C000] =	vst v63  }
0x270: {  	_ =	swait.ge [sflag:s19], $0x2000  }
0x271: {  	[sflag:s19] =	ssyncset.done $0x0  }
0x272: {  	s21 =	sadd.s32 $0x1, s21;
	[sflag:s19] =	ssyncadd.s32 $0xFFFFE000  }
0x273: {  	[hbm4b:s4+s1] =	stream.linear.scatter [tilespmem:s16], [sflag:$0x6], $0x2000, $0x38;
	[tilespmem:$0x1C000] =	vst v63  }
0x274: {  	p0 =	sne.s32 s21, s7;
	_ =	swait.ge [sflag:s18], $0x2000  }
.Ltmp16:
0x275: {  	[sflag:s18] =	ssyncset.done $0x0;
	(pc) =	sbr.rel @p0 .LBB2_1-.Ltmp16, $4  }
0x276: {  	[sflag:s18] =	ssyncadd.s32 $0xFFFFE000  }
0x277: {  	_ =	swait.ge [sflag:s20], $0x2000  }
0x278: {  	[sflag:s20] =	ssyncset.done $0x0  }
0x279: {  	[sflag:s20] =	ssyncadd.s32 $0xFFFFE000  }
0x27a: {  	_ =	sfence.sel $0x180000  }
0x27b: {  	[bflag:$0x0] =	sbarrier.arrive $0xFFFF  }
0x27c: {  	_ =	strace $0x90000047  }
0x27d: {  	s0 =	stileid.u32;
	[bflag:$0x2] =	sbarrier.arrive $0xFFFF  }
0x27e: {  	p0 =	sne.s32 s0, $0x0;
	s0 =	rddreg [dreg:$0x4]  }
0x27f: {  	s0 =	sadd.s32 @!p0 $0x100000, s0  }
0x280: {  	[sflag:s0] =	ssyncadd.tile.s32 @!p0 $0x1;
	_ =	shalt  }
.Lfunc_end2:
_tile_overlayer_lowered:
.L_overlay_start_2:
0x281: {  	(tag) =	ssettag $0x2  }
0x282: {  	s0 =	rddreg [dreg:$0x0];
	s2 =	stileid.u32  }
0x283: {  	s1 =	rddreg [dreg:$0x1];
	p0 =	sne.s32 s2, $0x0  }
0x284: {  	s3 =	rddreg [dreg:$0x2];
	[bflag:$0x3] =	sbarrier.arrive $0xFFFF;
	s2 =	simm.s32 @!p0 $0x1C08  }
0x285: {  	[timem:s3], [sflag:s2] =	dma.local @!p0 [hbm:s0], s1  }
0x286: {  	s0 =	simm.s32 @!p0 $0x8  }
0x287: {  	_ =	swait.ge @!p0 [sflag:s0], s1  }
0x288: {  	s1 =	ssub.s32 @!p0 $0x0, s1;
	[sflag:s0] =	ssyncset.done @!p0 $0x0  }
0x289: {  	[sflag:s0] =	ssyncadd.s32 @!p0 s1  }
0x28a: {  	[bflag:$0x3] =	sbarrier.arrive $0xFFFF  }
0x28b: {  	_ =	shalt  }

</sc_bundles>
